<compile_context>
chip_gen: v7x
topology: tpu7x:2x2x1
jax: 0.10.2.dev20260603
libtpu: 0.0.44.dev20260713+nightly
codegen_flags: <defaults>
</compile_context>

<pallas_src>
import functools

import jax
import jax.numpy as jnp
from jax import lax
from jax.experimental import pallas as pl
from jax.experimental.pallas import tpu as pltpu
from jax.experimental.pallas import tpu_sc as plsc

D = 128
NC = 2
NS = 16
NW = NC * NS
CHUNK = 128
BR = 5000


@functools.lru_cache(maxsize=None)
def _make_segsum(n_acc, nchunk, n_extra):
    assert nchunk % 2 == 0 and nchunk >= 4 and 0 <= n_extra <= NW
    rows_per_tile = n_acc // NS
    assert rows_per_tile * NS == n_acc and rows_per_tile % 128 == 0
    mesh = plsc.VectorSubcoreMesh(core_axis_name="c", subcore_axis_name="s")

    @functools.partial(
        pl.kernel,
        out_type=jax.ShapeDtypeStruct((NC, n_acc, D), jnp.float32),
        mesh=mesh,
        scratch_types=[
            pltpu.VMEM_SHARED((n_acc, D), jnp.float32),
            [pltpu.VMEM((2, CHUNK), jnp.int32) for _ in range(2)],
            [pltpu.VMEM((CHUNK, D), jnp.float32) for _ in range(2)],
            pltpu.VMEM((2, CHUNK), jnp.int32),
            [pltpu.SemaphoreType.DMA for _ in range(2)],
            [pltpu.SemaphoreType.DMA for _ in range(2)],
            pltpu.SemaphoreType.DMA,
            pltpu.SemaphoreType.DMA,
        ],
    )
    def segsum(edge_hbm, table_hbm, zeros_hbm, out_hbm,
               acc, eidx, bufs, eidx_t,
               isems, gsems, isem_t, gsem_t):
        c = lax.axis_index("c")
        s = lax.axis_index("s")
        w = s * NC + c
        base = w * (nchunk * CHUNK)

        def fire_idx(j, b):
            off = pl.multiple_of(base + j * CHUNK, CHUNK)
            pltpu.async_copy(
                edge_hbm.at[:, pl.ds(off, CHUNK)], eidx[b], isems[b])

        def wait_idx(j, b):
            off = pl.multiple_of(base + j * CHUNK, CHUNK)
            pltpu.make_async_copy(
                edge_hbm.at[:, pl.ds(off, CHUNK)], eidx[b], isems[b]).wait()

        def fire_gather(b):
            pltpu.async_copy(table_hbm.at[eidx[b].at[0]], bufs[b], gsems[b])

        def step(j, b, bn, fire_next_gather, fire_next_idx):
            if fire_next_gather:
                wait_idx(j + 1, bn)
                fire_gather(bn)
            pltpu.make_async_copy(
                table_hbm.at[eidx[b].at[0]], bufs[b], gsems[b]).wait()
            pltpu.sync_copy(bufs[b], acc.at[eidx[b].at[1]], add=True)
            if fire_next_idx:
                fire_idx(j + 2, b)

        off_t = pl.multiple_of((nchunk * NW + w) * CHUNK, CHUNK)

        fire_idx(0, 0)
        fire_idx(1, 1)
        if n_extra:
            @pl.when(w < n_extra)
            def _():
                pltpu.async_copy(
                    edge_hbm.at[:, pl.ds(off_t, CHUNK)], eidx_t, isem_t)
        wait_idx(0, 0)
        fire_gather(0)
        if n_extra:
            @pl.when(w < n_extra)
            def _():
                pltpu.make_async_copy(
                    edge_hbm.at[:, pl.ds(off_t, CHUNK)], eidx_t, isem_t).wait()
                pltpu.async_copy(table_hbm.at[eidx_t.at[0]], bufs[1], gsem_t)

        r0 = s * rows_per_tile
        pltpu.sync_copy(zeros_hbm.at[pl.ds(r0, rows_per_tile)],
                        acc.at[pl.ds(r0, rows_per_tile)])
        plsc.subcore_barrier()

        if n_extra:
            @pl.when(w < n_extra)
            def _():
                pltpu.make_async_copy(
                    table_hbm.at[eidx_t.at[0]], bufs[1], gsem_t).wait()
                pltpu.sync_copy(bufs[1], acc.at[eidx_t.at[1]], add=True)

        @pl.loop(0, nchunk - 2, step=2)
        def _(g):
            step(g, 0, 1, True, True)
            step(g + 1, 1, 0, True, True)

        step(nchunk - 2, 0, 1, True, False)
        step(nchunk - 1, 1, 0, False, False)

        plsc.subcore_barrier()
        pltpu.sync_copy(acc.at[pl.ds(r0, rows_per_tile)],
                        out_hbm.at[c].at[pl.ds(r0, rows_per_tile)])

    return segsum


def _tc1_body(p_ref, x_ref, wr_ref, wo_ref, b_ref, h_ref):
    agg = p_ref[0] + p_ref[1]
    h = (jnp.dot(agg, wr_ref[...], preferred_element_type=jnp.float32)
         + jnp.dot(x_ref[...], wo_ref[...], preferred_element_type=jnp.float32)
         + b_ref[...])
    h_ref[...] = jnp.maximum(h, 0.0)


def _tc2_body(p_ref, h_ref, wr_ref, wo_ref, b_ref, o_ref):
    agg = p_ref[0] + p_ref[1]
    o = (jnp.dot(agg, wr_ref[...], preferred_element_type=jnp.float32)
         + jnp.dot(h_ref[...], wo_ref[...], preferred_element_type=jnp.float32)
         + b_ref[...])
    o = o - jnp.max(o, axis=1, keepdims=True)
    o_ref[...] = o - jnp.log(jnp.sum(jnp.exp(o), axis=1, keepdims=True))


def _tc_layer(body, partials, dense_in, w_rel, w_root, b, n):
    grid = (n // BR,)
    return pl.pallas_call(
        body,
        grid=grid,
        in_specs=[
            pl.BlockSpec((NC, BR, D), lambda i: (0, i, 0)),
            pl.BlockSpec((BR, D), lambda i: (i, 0)),
            pl.BlockSpec((D, D), lambda i: (0, 0)),
            pl.BlockSpec((D, D), lambda i: (0, 0)),
            pl.BlockSpec((1, D), lambda i: (0, 0)),
        ],
        out_specs=pl.BlockSpec((BR, D), lambda i: (i, 0)),
        out_shape=jax.ShapeDtypeStruct((n, D), jnp.float32),
    )(partials, dense_in, w_rel, w_root, b.reshape(1, D))


def kernel(x, edge_index, W1_rel, W1_root, b1, W2_rel, W2_root, b2):
    n = x.shape[0]
    e = edge_index.shape[1]
    assert e % CHUNK == 0
    tot = e // CHUNK
    nchunk = (tot // NW) & ~1
    n_extra = tot - nchunk * NW
    assert n_extra <= NW

    n_acc = -(-n // (NS * 128)) * (NS * 128)
    zeros = jnp.zeros((n_acc, D), jnp.float32)
    segsum = _make_segsum(n_acc, nchunk, n_extra)
    p1 = segsum(edge_index, x, zeros)
    h = _tc_layer(_tc1_body, p1, x, W1_rel, W1_root, b1, n)
    p2 = segsum(edge_index, h, zeros)
    return _tc_layer(_tc2_body, p2, h, W2_rel, W2_root, b2, n)

# --- scband reference (transcript-rebuilt; emitter-appended) ---
"""Pipeline reference for scband-gcnmodel-with-regularization-79963701117031 (READ-ONLY COPY).

The authoritative reference and input builder live on the scoring server;
editing this copy changes nothing except your own understanding.
"""

import jax, jax.numpy as jnp
import numpy as np

N = 10000
E = 320000
D_IN = 128
D_HID = 128
D_OUT = 128

def setup_inputs(seed: int = 0) -> dict:
    key = jax.random.key(seed)
    ks = jax.random.split(key, 9)
    x = jax.random.normal(ks[0], (N, D_IN), dtype=jnp.float32)
    edge_index = jax.random.randint(ks[1], (2, E), 0, N, dtype=jnp.int32)
    s_in = 1.0 / np.sqrt(D_IN)
    s_hid = 1.0 / np.sqrt(D_HID)
    W1_rel = jax.random.uniform(ks[2], (D_IN, D_HID), jnp.float32, -s_in, s_in)
    W1_root = jax.random.uniform(ks[3], (D_IN, D_HID), jnp.float32, -s_in, s_in)
    b1 = jax.random.uniform(ks[4], (D_HID,), jnp.float32, -s_in, s_in)
    W2_rel = jax.random.uniform(ks[5], (D_HID, D_OUT), jnp.float32, -s_hid, s_hid)
    W2_root = jax.random.uniform(ks[6], (D_HID, D_OUT), jnp.float32, -s_hid, s_hid)
    b2 = jax.random.uniform(ks[7], (D_OUT,), jnp.float32, -s_hid, s_hid)
    return {"x": x, "edge_index": edge_index, "W1_rel": W1_rel, "W1_root": W1_root, "b1": b1, "W2_rel": W2_rel, "W2_root": W2_root, "b2": b2}

def reference(x, edge_index, W1_rel, W1_root, b1, W2_rel, W2_root, b2):
    # GraphConv layer 1: out = lin_rel(sum_{j in N(i)} x_j) + lin_root(x_i)
    src = edge_index[0]
    dst = edge_index[1]
    msgs1 = jnp.take(x, src, axis=0)
    agg1 = jax.ops.segment_sum(msgs1, dst, num_segments=x.shape[0])
    h = agg1 @ W1_rel + x @ W1_root + b1
    h = jax.nn.relu(h)
    # dropout is identity in eval mode (training=False)
    # GraphConv layer 2
    msgs2 = jnp.take(h, src, axis=0)
    agg2 = jax.ops.segment_sum(msgs2, dst, num_segments=h.shape[0])
    out = agg2 @ W2_rel + h @ W2_root + b2
    return jax.nn.log_softmax(out, axis=1)

if __name__ == "__main__":
    import jax
    _d = setup_inputs()
    print(jax.jit(kernel)(*tuple(_d.values())))

</pallas_src>

<mosaic_0001>
#map = affine_map<(d0, d1) -> (0, 0)>
#map1 = affine_map<(d0, d1) -> (0, 0, 0)>
module attributes {stable_mosaic.version = 14 : i64} {
  func.func @segsum(%arg0: i32, %arg1: i32, %arg2: memref<2x320000xi32, #tpu.memory_space<hbm>>, %arg3: memref<10000x128xf32, #tpu.memory_space<hbm>>, %arg4: memref<10240x128xf32, #tpu.memory_space<hbm>>, %arg5: memref<2x10240x128xf32, #tpu.memory_space<hbm>>, %arg6: memref<10240x128xf32, #tpu.memory_space<vmem_shared>>, %arg7: memref<2x128xi32, #tpu.memory_space<vmem>>, %arg8: memref<2x128xi32, #tpu.memory_space<vmem>>, %arg9: memref<128x128xf32, #tpu.memory_space<vmem>>, %arg10: memref<128x128xf32, #tpu.memory_space<vmem>>, %arg11: memref<2x128xi32, #tpu.memory_space<vmem>>, %arg12: memref<!tpu.dma_semaphore, #tpu.memory_space<semaphore_mem>>, %arg13: memref<!tpu.dma_semaphore, #tpu.memory_space<semaphore_mem>>, %arg14: memref<!tpu.dma_semaphore, #tpu.memory_space<semaphore_mem>>, %arg15: memref<!tpu.dma_semaphore, #tpu.memory_space<semaphore_mem>>, %arg16: memref<!tpu.dma_semaphore, #tpu.memory_space<semaphore_mem>>, %arg17: memref<!tpu.dma_semaphore, #tpu.memory_space<semaphore_mem>>) attributes {dimension_semantics = [#tpu.dimension_semantics<core_parallel>, #tpu.dimension_semantics<subcore_parallel>], iteration_bounds = array<i64: 2, 16>, scalar_prefetch = 0 : i64, scratch_operands = 12 : i64, tpu.core_type = #tpu.core_type<sc_vector_subcore>, window_params = [{transform_indices = #map}, {transform_indices = #map}, {transform_indices = #map}, {transform_indices = #map1}]} {
    %mul3A = arith.constant 2 : i32
    %mul3A_0 = arith.muli %arg1, %mul3A : i32
    %add3A = arith.addi %mul3A_0, %arg0 : i32
    %mul3A_1 = arith.constant 9984 : i32
    %mul3A_2 = arith.muli %add3A, %mul3A_1 : i32
    %add3A_3 = arith.constant 2496 : i32
    %add3A_4 = arith.addi %add3A_3, %add3A : i32
    %mul3A_5 = arith.constant 128 : i32
    %mul3A_6 = arith.muli %add3A_4, %mul3A_5 : i32
    %multiple_of3A = tpu.assume_multiple %mul3A_6, 128 : i32
    %add3A_7 = arith.constant 0 : i32
    %add3A_8 = arith.addi %mul3A_2, %add3A_7 : i32
    %multiple_of3A_9 = tpu.assume_multiple %add3A_8, 128 : i32
    %dma_start3A = arith.constant 0 : i32
    %dma_start3A_10 = tpu.memref_slice %arg2[%dma_start3A, %multiple_of3A_9] : memref<2x320000xi32, #tpu.memory_space<hbm>> -> memref<2x128xi32, #tpu.memory_space<hbm>>
    %dma_start3A_11 = arith.constant 0 : i32
    %dma_start3A_12 = tpu.memref_slice %arg2[%dma_start3A_11, %multiple_of3A_9] : memref<2x320000xi32, #tpu.memory_space<hbm>> -> memref<2x128xi32, #tpu.memory_space<hbm>>
    tpu.enqueue_dma source(%dma_start3A_12 : memref<2x128xi32, #tpu.memory_space<hbm>>) target(%arg7 : memref<2x128xi32, #tpu.memory_space<vmem>>) target_semaphore(%arg12 : memref<!tpu.dma_semaphore, #tpu.memory_space<semaphore_mem>>)
    %add3A_13 = arith.constant 128 : i32
    %add3A_14 = arith.addi %mul3A_2, %add3A_13 : i32
    %multiple_of3A_15 = tpu.assume_multiple %add3A_14, 128 : i32
    %dma_start3A_16 = arith.constant 0 : i32
    %dma_start3A_17 = tpu.memref_slice %arg2[%dma_start3A_16, %multiple_of3A_15] : memref<2x320000xi32, #tpu.memory_space<hbm>> -> memref<2x128xi32, #tpu.memory_space<hbm>>
    %dma_start3A_18 = arith.constant 0 : i32
    %dma_start3A_19 = tpu.memref_slice %arg2[%dma_start3A_18, %multiple_of3A_15] : memref<2x320000xi32, #tpu.memory_space<hbm>> -> memref<2x128xi32, #tpu.memory_space<hbm>>
    tpu.enqueue_dma source(%dma_start3A_19 : memref<2x128xi32, #tpu.memory_space<hbm>>) target(%arg8 : memref<2x128xi32, #tpu.memory_space<vmem>>) target_semaphore(%arg13 : memref<!tpu.dma_semaphore, #tpu.memory_space<semaphore_mem>>)
    %lt3A = arith.constant 4 : i32
    %lt3A_20 = arith.cmpi slt, %add3A, %lt3A : i32
    %convert_element_type3A = arith.extui %lt3A_20 : i1 to i32
    %cond3A = arith.constant 0 : i32
    %cond3A_21 = arith.cmpi ne, %convert_element_type3A, %cond3A : i32
    scf.if %cond3A_21 {
      %dma_start3A_81 = arith.constant 0 : i32
      %dma_start3A_82 = tpu.memref_slice %arg2[%dma_start3A_81, %multiple_of3A] : memref<2x320000xi32, #tpu.memory_space<hbm>> -> memref<2x128xi32, #tpu.memory_space<hbm>>
      %dma_start3A_83 = arith.constant 0 : i32
      %dma_start3A_84 = tpu.memref_slice %arg2[%dma_start3A_83, %multiple_of3A] : memref<2x320000xi32, #tpu.memory_space<hbm>> -> memref<2x128xi32, #tpu.memory_space<hbm>>
      tpu.enqueue_dma source(%dma_start3A_84 : memref<2x128xi32, #tpu.memory_space<hbm>>) target(%arg11 : memref<2x128xi32, #tpu.memory_space<vmem>>) target_semaphore(%arg16 : memref<!tpu.dma_semaphore, #tpu.memory_space<semaphore_mem>>)
    } else {
    }
    %add3A_22 = arith.constant 0 : i32
    %add3A_23 = arith.addi %mul3A_2, %add3A_22 : i32
    %multiple_of3A_24 = tpu.assume_multiple %add3A_23, 128 : i32
    %dma_wait3A = arith.constant 0 : i32
    %dma_wait3A_25 = tpu.memref_slice %arg2[%dma_wait3A, %multiple_of3A_24] : memref<2x320000xi32, #tpu.memory_space<hbm>> -> memref<2x128xi32, #tpu.memory_space<hbm>>
    %dma_wait3A_26 = arith.constant 0 : i32
    %dma_wait3A_27 = tpu.memref_slice %arg2[%dma_wait3A_26, %multiple_of3A_24] : memref<2x320000xi32, #tpu.memory_space<hbm>> -> memref<2x128xi32, #tpu.memory_space<hbm>>
    tpu.wait_dma2 semaphore(%arg12 : memref<!tpu.dma_semaphore, #tpu.memory_space<semaphore_mem>>) src(%dma_wait3A_27 : memref<2x128xi32, #tpu.memory_space<hbm>>) dst(%arg7 : memref<2x128xi32, #tpu.memory_space<vmem>>)
    %dma_start3A_28 = arith.constant 0 : i32
    %dma_start3A_29 = arith.constant 0 : i32
    %dma_start3A_30 = tpu.memref_slice %arg7[%dma_start3A_28, %dma_start3A_29] : memref<2x128xi32, #tpu.memory_space<vmem>> -> memref<1x128xi32, #tpu.memory_space<vmem>>
    %dma_start3A_31 = tpu.memref_squeeze %dma_start3A_30 : memref<1x128xi32, #tpu.memory_space<vmem>> -> memref<128xi32, #tpu.memory_space<vmem>>
    %dma_start3A_32 = arith.constant 0 : i32
    %dma_start3A_33 = arith.constant 0 : i32
    %dma_start3A_34 = tpu.memref_slice %arg3[%dma_start3A_32, %dma_start3A_33] : memref<10000x128xf32, #tpu.memory_space<hbm>> -> memref<10000x128xf32, #tpu.memory_space<hbm>>
    tpu.enqueue_indirect_dma source(%dma_start3A_34 : memref<10000x128xf32, #tpu.memory_space<hbm>>) target(%arg9 : memref<128x128xf32, #tpu.memory_space<vmem>>) offsets(%dma_start3A_31 : memref<128xi32, #tpu.memory_space<vmem>>) semaphore(%arg14 : memref<!tpu.dma_semaphore, #tpu.memory_space<semaphore_mem>>)
    %lt3A_35 = arith.constant 4 : i32
    %lt3A_36 = arith.cmpi slt, %add3A, %lt3A_35 : i32
    %convert_element_type3A_37 = arith.extui %lt3A_36 : i1 to i32
    %cond3A_38 = arith.constant 0 : i32
    %cond3A_39 = arith.cmpi ne, %convert_element_type3A_37, %cond3A_38 : i32
    scf.if %cond3A_39 {
      %dma_wait3A_81 = arith.constant 0 : i32
      %dma_wait3A_82 = tpu.memref_slice %arg2[%dma_wait3A_81, %multiple_of3A] : memref<2x320000xi32, #tpu.memory_space<hbm>> -> memref<2x128xi32, #tpu.memory_space<hbm>>
      %dma_wait3A_83 = arith.constant 0 : i32
      %dma_wait3A_84 = tpu.memref_slice %arg2[%dma_wait3A_83, %multiple_of3A] : memref<2x320000xi32, #tpu.memory_space<hbm>> -> memref<2x128xi32, #tpu.memory_space<hbm>>
      tpu.wait_dma2 semaphore(%arg16 : memref<!tpu.dma_semaphore, #tpu.memory_space<semaphore_mem>>) src(%dma_wait3A_84 : memref<2x128xi32, #tpu.memory_space<hbm>>) dst(%arg11 : memref<2x128xi32, #tpu.memory_space<vmem>>)
      %dma_start3A_85 = arith.constant 0 : i32
      %dma_start3A_86 = arith.constant 0 : i32
      %dma_start3A_87 = tpu.memref_slice %arg11[%dma_start3A_85, %dma_start3A_86] : memref<2x128xi32, #tpu.memory_space<vmem>> -> memref<1x128xi32, #tpu.memory_space<vmem>>
      %dma_start3A_88 = tpu.memref_squeeze %dma_start3A_87 : memref<1x128xi32, #tpu.memory_space<vmem>> -> memref<128xi32, #tpu.memory_space<vmem>>
      %dma_start3A_89 = arith.constant 0 : i32
      %dma_start3A_90 = arith.constant 0 : i32
      %dma_start3A_91 = tpu.memref_slice %arg3[%dma_start3A_89, %dma_start3A_90] : memref<10000x128xf32, #tpu.memory_space<hbm>> -> memref<10000x128xf32, #tpu.memory_space<hbm>>
      tpu.enqueue_indirect_dma source(%dma_start3A_91 : memref<10000x128xf32, #tpu.memory_space<hbm>>) target(%arg10 : memref<128x128xf32, #tpu.memory_space<vmem>>) offsets(%dma_start3A_88 : memref<128xi32, #tpu.memory_space<vmem>>) semaphore(%arg17 : memref<!tpu.dma_semaphore, #tpu.memory_space<semaphore_mem>>)
    } else {
    }
    %mul3A_40 = arith.constant 640 : i32
    %mul3A_41 = arith.muli %arg1, %mul3A_40 : i32
    "tpu.region"() ({
      %run_scoped3A_81 = tpu.sem_alloc : memref<!tpu.dma_semaphore, #tpu.memory_space<semaphore_mem>>
      %dma_start3A_82 = arith.constant 0 : i32
      %dma_start3A_83 = tpu.memref_slice %arg6[%mul3A_41, %dma_start3A_82] : memref<10240x128xf32, #tpu.memory_space<vmem_shared>> -> memref<640x128xf32, #tpu.memory_space<vmem_shared>>
      %dma_start3A_84 = arith.constant 0 : i32
      %dma_start3A_85 = tpu.memref_slice %arg4[%mul3A_41, %dma_start3A_84] : memref<10240x128xf32, #tpu.memory_space<hbm>> -> memref<640x128xf32, #tpu.memory_space<hbm>>
      tpu.enqueue_dma source(%dma_start3A_85 : memref<640x128xf32, #tpu.memory_space<hbm>>) target(%dma_start3A_83 : memref<640x128xf32, #tpu.memory_space<vmem_shared>>) target_semaphore(%run_scoped3A_81 : memref<!tpu.dma_semaphore, #tpu.memory_space<semaphore_mem>>)
      %dma_wait3A_86 = arith.constant 0 : i32
      %dma_wait3A_87 = tpu.memref_slice %arg6[%mul3A_41, %dma_wait3A_86] : memref<10240x128xf32, #tpu.memory_space<vmem_shared>> -> memref<640x128xf32, #tpu.memory_space<vmem_shared>>
      %dma_wait3A_88 = arith.constant 0 : i32
      %dma_wait3A_89 = tpu.memref_slice %arg4[%mul3A_41, %dma_wait3A_88] : memref<10240x128xf32, #tpu.memory_space<hbm>> -> memref<640x128xf32, #tpu.memory_space<hbm>>
      tpu.wait_dma2 semaphore(%run_scoped3A_81 : memref<!tpu.dma_semaphore, #tpu.memory_space<semaphore_mem>>) src(%dma_wait3A_89 : memref<640x128xf32, #tpu.memory_space<hbm>>) dst(%dma_wait3A_87 : memref<640x128xf32, #tpu.memory_space<vmem_shared>>)
      tpu.yield
    }) : () -> ()
    %barrier3A = arith.constant 0 : index
    tpu.barrier barrier_id(%barrier3A)
    %lt3A_42 = arith.constant 4 : i32
    %lt3A_43 = arith.cmpi slt, %add3A, %lt3A_42 : i32
    %convert_element_type3A_44 = arith.extui %lt3A_43 : i1 to i32
    %cond3A_45 = arith.constant 0 : i32
    %cond3A_46 = arith.cmpi ne, %convert_element_type3A_44, %cond3A_45 : i32
    scf.if %cond3A_46 {
      %dma_wait3A_81 = arith.constant 0 : i32
      %dma_wait3A_82 = arith.constant 0 : i32
      %dma_wait3A_83 = tpu.memref_slice %arg11[%dma_wait3A_81, %dma_wait3A_82] : memref<2x128xi32, #tpu.memory_space<vmem>> -> memref<1x128xi32, #tpu.memory_space<vmem>>
      %dma_wait3A_84 = tpu.memref_squeeze %dma_wait3A_83 : memref<1x128xi32, #tpu.memory_space<vmem>> -> memref<128xi32, #tpu.memory_space<vmem>>
      %dma_wait3A_85 = arith.constant 0 : i32
      %dma_wait3A_86 = arith.constant 0 : i32
      %dma_wait3A_87 = tpu.memref_slice %arg3[%dma_wait3A_85, %dma_wait3A_86] : memref<10000x128xf32, #tpu.memory_space<hbm>> -> memref<10000x128xf32, #tpu.memory_space<hbm>>
      tpu.wait_indirect_dma semaphore(%arg17 : memref<!tpu.dma_semaphore, #tpu.memory_space<semaphore_mem>>) src(%dma_wait3A_87 : memref<10000x128xf32, #tpu.memory_space<hbm>>) dst(%arg10 : memref<128x128xf32, #tpu.memory_space<vmem>>)
      %run_scoped3A_88 = arith.constant 1 : i32
      "tpu.region"() ({
        %run_scoped3A_89 = tpu.sem_alloc : memref<!tpu.dma_semaphore, #tpu.memory_space<semaphore_mem>>
        %dma_start3A_90 = arith.constant 0 : i32
        %dma_start3A_91 = tpu.memref_slice %arg11[%run_scoped3A_88, %dma_start3A_90] : memref<2x128xi32, #tpu.memory_space<vmem>> -> memref<1x128xi32, #tpu.memory_space<vmem>>
        %dma_start3A_92 = tpu.memref_squeeze %dma_start3A_91 : memref<1x128xi32, #tpu.memory_space<vmem>> -> memref<128xi32, #tpu.memory_space<vmem>>
        %dma_start3A_93 = arith.constant 0 : i32
        %dma_start3A_94 = arith.constant 0 : i32
        %dma_start3A_95 = tpu.memref_slice %arg6[%dma_start3A_93, %dma_start3A_94] : memref<10240x128xf32, #tpu.memory_space<vmem_shared>> -> memref<10240x128xf32, #tpu.memory_space<vmem_shared>>
        tpu.enqueue_indirect_dma source(%arg10 : memref<128x128xf32, #tpu.memory_space<vmem>>) target(%dma_start3A_95 : memref<10240x128xf32, #tpu.memory_space<vmem_shared>>) offsets(%dma_start3A_92 : memref<128xi32, #tpu.memory_space<vmem>>) semaphore(%run_scoped3A_89 : memref<!tpu.dma_semaphore, #tpu.memory_space<semaphore_mem>>) {add = true}
        %dma_wait3A_96 = arith.constant 0 : i32
        %dma_wait3A_97 = tpu.memref_slice %arg11[%run_scoped3A_88, %dma_wait3A_96] : memref<2x128xi32, #tpu.memory_space<vmem>> -> memref<1x128xi32, #tpu.memory_space<vmem>>
        %dma_wait3A_98 = tpu.memref_squeeze %dma_wait3A_97 : memref<1x128xi32, #tpu.memory_space<vmem>> -> memref<128xi32, #tpu.memory_space<vmem>>
        %dma_wait3A_99 = arith.constant 0 : i32
        %dma_wait3A_100 = arith.constant 0 : i32
        %dma_wait3A_101 = tpu.memref_slice %arg6[%dma_wait3A_99, %dma_wait3A_100] : memref<10240x128xf32, #tpu.memory_space<vmem_shared>> -> memref<10240x128xf32, #tpu.memory_space<vmem_shared>>
        tpu.wait_indirect_dma semaphore(%run_scoped3A_89 : memref<!tpu.dma_semaphore, #tpu.memory_space<semaphore_mem>>) src(%arg10 : memref<128x128xf32, #tpu.memory_space<vmem>>) dst(%dma_wait3A_101 : memref<10240x128xf32, #tpu.memory_space<vmem_shared>>)
        tpu.yield
      }) : () -> ()
    } else {
    }
    %scan3A = arith.constant 0 : i32
    %scan3A_47 = arith.constant 38 : i32
    %scan3A_48 = arith.addi %scan3A, %scan3A_47 : i32
    %scan3A_49 = arith.constant 1 : i32
    scf.for %scan3A_81 = %scan3A to %scan3A_48 step %scan3A_49  : i32 {
      %mul3A_82 = arith.constant 2 : i32
      %mul3A_83 = arith.muli %scan3A_81, %mul3A_82 : i32
      %add3A_84 = arith.constant 0 : i32
      %add3A_85 = arith.addi %add3A_84, %mul3A_83 : i32
      %add3A_86 = arith.constant 1 : i32
      %add3A_87 = arith.addi %add3A_85, %add3A_86 : i32
      %mul3A_88 = arith.constant 128 : i32
      %mul3A_89 = arith.muli %add3A_87, %mul3A_88 : i32
      %add3A_90 = arith.addi %mul3A_2, %mul3A_89 : i32
      %multiple_of3A_91 = tpu.assume_multiple %add3A_90, 128 : i32
      %dma_wait3A_92 = arith.constant 0 : i32
      %dma_wait3A_93 = tpu.memref_slice %arg2[%dma_wait3A_92, %multiple_of3A_91] : memref<2x320000xi32, #tpu.memory_space<hbm>> -> memref<2x128xi32, #tpu.memory_space<hbm>>
      %dma_wait3A_94 = arith.constant 0 : i32
      %dma_wait3A_95 = tpu.memref_slice %arg2[%dma_wait3A_94, %multiple_of3A_91] : memref<2x320000xi32, #tpu.memory_space<hbm>> -> memref<2x128xi32, #tpu.memory_space<hbm>>
      tpu.wait_dma2 semaphore(%arg13 : memref<!tpu.dma_semaphore, #tpu.memory_space<semaphore_mem>>) src(%dma_wait3A_95 : memref<2x128xi32, #tpu.memory_space<hbm>>) dst(%arg8 : memref<2x128xi32, #tpu.memory_space<vmem>>)
      %dma_start3A_96 = arith.constant 0 : i32
      %dma_start3A_97 = arith.constant 0 : i32
      %dma_start3A_98 = tpu.memref_slice %arg8[%dma_start3A_96, %dma_start3A_97] : memref<2x128xi32, #tpu.memory_space<vmem>> -> memref<1x128xi32, #tpu.memory_space<vmem>>
      %dma_start3A_99 = tpu.memref_squeeze %dma_start3A_98 : memref<1x128xi32, #tpu.memory_space<vmem>> -> memref<128xi32, #tpu.memory_space<vmem>>
      %dma_start3A_100 = arith.constant 0 : i32
      %dma_start3A_101 = arith.constant 0 : i32
      %dma_start3A_102 = tpu.memref_slice %arg3[%dma_start3A_100, %dma_start3A_101] : memref<10000x128xf32, #tpu.memory_space<hbm>> -> memref<10000x128xf32, #tpu.memory_space<hbm>>
      tpu.enqueue_indirect_dma source(%dma_start3A_102 : memref<10000x128xf32, #tpu.memory_space<hbm>>) target(%arg10 : memref<128x128xf32, #tpu.memory_space<vmem>>) offsets(%dma_start3A_99 : memref<128xi32, #tpu.memory_space<vmem>>) semaphore(%arg15 : memref<!tpu.dma_semaphore, #tpu.memory_space<semaphore_mem>>)
      %dma_wait3A_103 = arith.constant 0 : i32
      %dma_wait3A_104 = arith.constant 0 : i32
      %dma_wait3A_105 = tpu.memref_slice %arg7[%dma_wait3A_103, %dma_wait3A_104] : memref<2x128xi32, #tpu.memory_space<vmem>> -> memref<1x128xi32, #tpu.memory_space<vmem>>
      %dma_wait3A_106 = tpu.memref_squeeze %dma_wait3A_105 : memref<1x128xi32, #tpu.memory_space<vmem>> -> memref<128xi32, #tpu.memory_space<vmem>>
      %dma_wait3A_107 = arith.constant 0 : i32
      %dma_wait3A_108 = arith.constant 0 : i32
      %dma_wait3A_109 = tpu.memref_slice %arg3[%dma_wait3A_107, %dma_wait3A_108] : memref<10000x128xf32, #tpu.memory_space<hbm>> -> memref<10000x128xf32, #tpu.memory_space<hbm>>
      tpu.wait_indirect_dma semaphore(%arg14 : memref<!tpu.dma_semaphore, #tpu.memory_space<semaphore_mem>>) src(%dma_wait3A_109 : memref<10000x128xf32, #tpu.memory_space<hbm>>) dst(%arg9 : memref<128x128xf32, #tpu.memory_space<vmem>>)
      %run_scoped3A_110 = arith.constant 1 : i32
      "tpu.region"() ({
        %run_scoped3A_158 = tpu.sem_alloc : memref<!tpu.dma_semaphore, #tpu.memory_space<semaphore_mem>>
        %dma_start3A_159 = arith.constant 0 : i32
        %dma_start3A_160 = tpu.memref_slice %arg7[%run_scoped3A_110, %dma_start3A_159] : memref<2x128xi32, #tpu.memory_space<vmem>> -> memref<1x128xi32, #tpu.memory_space<vmem>>
        %dma_start3A_161 = tpu.memref_squeeze %dma_start3A_160 : memref<1x128xi32, #tpu.memory_space<vmem>> -> memref<128xi32, #tpu.memory_space<vmem>>
        %dma_start3A_162 = arith.constant 0 : i32
        %dma_start3A_163 = arith.constant 0 : i32
        %dma_start3A_164 = tpu.memref_slice %arg6[%dma_start3A_162, %dma_start3A_163] : memref<10240x128xf32, #tpu.memory_space<vmem_shared>> -> memref<10240x128xf32, #tpu.memory_space<vmem_shared>>
        tpu.enqueue_indirect_dma source(%arg9 : memref<128x128xf32, #tpu.memory_space<vmem>>) target(%dma_start3A_164 : memref<10240x128xf32, #tpu.memory_space<vmem_shared>>) offsets(%dma_start3A_161 : memref<128xi32, #tpu.memory_space<vmem>>) semaphore(%run_scoped3A_158 : memref<!tpu.dma_semaphore, #tpu.memory_space<semaphore_mem>>) {add = true}
        %dma_wait3A_165 = arith.constant 0 : i32
        %dma_wait3A_166 = tpu.memref_slice %arg7[%run_scoped3A_110, %dma_wait3A_165] : memref<2x128xi32, #tpu.memory_space<vmem>> -> memref<1x128xi32, #tpu.memory_space<vmem>>
        %dma_wait3A_167 = tpu.memref_squeeze %dma_wait3A_166 : memref<1x128xi32, #tpu.memory_space<vmem>> -> memref<128xi32, #tpu.memory_space<vmem>>
        %dma_wait3A_168 = arith.constant 0 : i32
        %dma_wait3A_169 = arith.constant 0 : i32
        %dma_wait3A_170 = tpu.memref_slice %arg6[%dma_wait3A_168, %dma_wait3A_169] : memref<10240x128xf32, #tpu.memory_space<vmem_shared>> -> memref<10240x128xf32, #tpu.memory_space<vmem_shared>>
        tpu.wait_indirect_dma semaphore(%run_scoped3A_158 : memref<!tpu.dma_semaphore, #tpu.memory_space<semaphore_mem>>) src(%arg9 : memref<128x128xf32, #tpu.memory_space<vmem>>) dst(%dma_wait3A_170 : memref<10240x128xf32, #tpu.memory_space<vmem_shared>>)
        tpu.yield
      }) : () -> ()
      %add3A_111 = arith.constant 2 : i32
      %add3A_112 = arith.addi %add3A_85, %add3A_111 : i32
      %mul3A_113 = arith.constant 128 : i32
      %mul3A_114 = arith.muli %add3A_112, %mul3A_113 : i32
      %add3A_115 = arith.addi %mul3A_2, %mul3A_114 : i32
      %multiple_of3A_116 = tpu.assume_multiple %add3A_115, 128 : i32
      %dma_start3A_117 = arith.constant 0 : i32
      %dma_start3A_118 = tpu.memref_slice %arg2[%dma_start3A_117, %multiple_of3A_116] : memref<2x320000xi32, #tpu.memory_space<hbm>> -> memref<2x128xi32, #tpu.memory_space<hbm>>
      %dma_start3A_119 = arith.constant 0 : i32
      %dma_start3A_120 = tpu.memref_slice %arg2[%dma_start3A_119, %multiple_of3A_116] : memref<2x320000xi32, #tpu.memory_space<hbm>> -> memref<2x128xi32, #tpu.memory_space<hbm>>
      tpu.enqueue_dma source(%dma_start3A_120 : memref<2x128xi32, #tpu.memory_space<hbm>>) target(%arg7 : memref<2x128xi32, #tpu.memory_space<vmem>>) target_semaphore(%arg12 : memref<!tpu.dma_semaphore, #tpu.memory_space<semaphore_mem>>)
      %add3A_121 = arith.constant 1 : i32
      %add3A_122 = arith.addi %add3A_85, %add3A_121 : i32
      %add3A_123 = arith.constant 1 : i32
      %add3A_124 = arith.addi %add3A_122, %add3A_123 : i32
      %mul3A_125 = arith.constant 128 : i32
      %mul3A_126 = arith.muli %add3A_124, %mul3A_125 : i32
      %add3A_127 = arith.addi %mul3A_2, %mul3A_126 : i32
      %multiple_of3A_128 = tpu.assume_multiple %add3A_127, 128 : i32
      %dma_wait3A_129 = arith.constant 0 : i32
      %dma_wait3A_130 = tpu.memref_slice %arg2[%dma_wait3A_129, %multiple_of3A_128] : memref<2x320000xi32, #tpu.memory_space<hbm>> -> memref<2x128xi32, #tpu.memory_space<hbm>>
      %dma_wait3A_131 = arith.constant 0 : i32
      %dma_wait3A_132 = tpu.memref_slice %arg2[%dma_wait3A_131, %multiple_of3A_128] : memref<2x320000xi32, #tpu.memory_space<hbm>> -> memref<2x128xi32, #tpu.memory_space<hbm>>
      tpu.wait_dma2 semaphore(%arg12 : memref<!tpu.dma_semaphore, #tpu.memory_space<semaphore_mem>>) src(%dma_wait3A_132 : memref<2x128xi32, #tpu.memory_space<hbm>>) dst(%arg7 : memref<2x128xi32, #tpu.memory_space<vmem>>)
      %dma_start3A_133 = arith.constant 0 : i32
      %dma_start3A_134 = arith.constant 0 : i32
      %dma_start3A_135 = tpu.memref_slice %arg7[%dma_start3A_133, %dma_start3A_134] : memref<2x128xi32, #tpu.memory_space<vmem>> -> memref<1x128xi32, #tpu.memory_space<vmem>>
      %dma_start3A_136 = tpu.memref_squeeze %dma_start3A_135 : memref<1x128xi32, #tpu.memory_space<vmem>> -> memref<128xi32, #tpu.memory_space<vmem>>
      %dma_start3A_137 = arith.constant 0 : i32
      %dma_start3A_138 = arith.constant 0 : i32
      %dma_start3A_139 = tpu.memref_slice %arg3[%dma_start3A_137, %dma_start3A_138] : memref<10000x128xf32, #tpu.memory_space<hbm>> -> memref<10000x128xf32, #tpu.memory_space<hbm>>
      tpu.enqueue_indirect_dma source(%dma_start3A_139 : memref<10000x128xf32, #tpu.memory_space<hbm>>) target(%arg9 : memref<128x128xf32, #tpu.memory_space<vmem>>) offsets(%dma_start3A_136 : memref<128xi32, #tpu.memory_space<vmem>>) semaphore(%arg14 : memref<!tpu.dma_semaphore, #tpu.memory_space<semaphore_mem>>)
      %dma_wait3A_140 = arith.constant 0 : i32
      %dma_wait3A_141 = arith.constant 0 : i32
      %dma_wait3A_142 = tpu.memref_slice %arg8[%dma_wait3A_140, %dma_wait3A_141] : memref<2x128xi32, #tpu.memory_space<vmem>> -> memref<1x128xi32, #tpu.memory_space<vmem>>
      %dma_wait3A_143 = tpu.memref_squeeze %dma_wait3A_142 : memref<1x128xi32, #tpu.memory_space<vmem>> -> memref<128xi32, #tpu.memory_space<vmem>>
      %dma_wait3A_144 = arith.constant 0 : i32
      %dma_wait3A_145 = arith.constant 0 : i32
      %dma_wait3A_146 = tpu.memref_slice %arg3[%dma_wait3A_144, %dma_wait3A_145] : memref<10000x128xf32, #tpu.memory_space<hbm>> -> memref<10000x128xf32, #tpu.memory_space<hbm>>
      tpu.wait_indirect_dma semaphore(%arg15 : memref<!tpu.dma_semaphore, #tpu.memory_space<semaphore_mem>>) src(%dma_wait3A_146 : memref<10000x128xf32, #tpu.memory_space<hbm>>) dst(%arg10 : memref<128x128xf32, #tpu.memory_space<vmem>>)
      %run_scoped3A_147 = arith.constant 1 : i32
      "tpu.region"() ({
        %run_scoped3A_158 = tpu.sem_alloc : memref<!tpu.dma_semaphore, #tpu.memory_space<semaphore_mem>>
        %dma_start3A_159 = arith.constant 0 : i32
        %dma_start3A_160 = tpu.memref_slice %arg8[%run_scoped3A_147, %dma_start3A_159] : memref<2x128xi32, #tpu.memory_space<vmem>> -> memref<1x128xi32, #tpu.memory_space<vmem>>
        %dma_start3A_161 = tpu.memref_squeeze %dma_start3A_160 : memref<1x128xi32, #tpu.memory_space<vmem>> -> memref<128xi32, #tpu.memory_space<vmem>>
        %dma_start3A_162 = arith.constant 0 : i32
        %dma_start3A_163 = arith.constant 0 : i32
        %dma_start3A_164 = tpu.memref_slice %arg6[%dma_start3A_162, %dma_start3A_163] : memref<10240x128xf32, #tpu.memory_space<vmem_shared>> -> memref<10240x128xf32, #tpu.memory_space<vmem_shared>>
        tpu.enqueue_indirect_dma source(%arg10 : memref<128x128xf32, #tpu.memory_space<vmem>>) target(%dma_start3A_164 : memref<10240x128xf32, #tpu.memory_space<vmem_shared>>) offsets(%dma_start3A_161 : memref<128xi32, #tpu.memory_space<vmem>>) semaphore(%run_scoped3A_158 : memref<!tpu.dma_semaphore, #tpu.memory_space<semaphore_mem>>) {add = true}
        %dma_wait3A_165 = arith.constant 0 : i32
        %dma_wait3A_166 = tpu.memref_slice %arg8[%run_scoped3A_147, %dma_wait3A_165] : memref<2x128xi32, #tpu.memory_space<vmem>> -> memref<1x128xi32, #tpu.memory_space<vmem>>
        %dma_wait3A_167 = tpu.memref_squeeze %dma_wait3A_166 : memref<1x128xi32, #tpu.memory_space<vmem>> -> memref<128xi32, #tpu.memory_space<vmem>>
        %dma_wait3A_168 = arith.constant 0 : i32
        %dma_wait3A_169 = arith.constant 0 : i32
        %dma_wait3A_170 = tpu.memref_slice %arg6[%dma_wait3A_168, %dma_wait3A_169] : memref<10240x128xf32, #tpu.memory_space<vmem_shared>> -> memref<10240x128xf32, #tpu.memory_space<vmem_shared>>
        tpu.wait_indirect_dma semaphore(%run_scoped3A_158 : memref<!tpu.dma_semaphore, #tpu.memory_space<semaphore_mem>>) src(%arg10 : memref<128x128xf32, #tpu.memory_space<vmem>>) dst(%dma_wait3A_170 : memref<10240x128xf32, #tpu.memory_space<vmem_shared>>)
        tpu.yield
      }) : () -> ()
      %add3A_148 = arith.constant 2 : i32
      %add3A_149 = arith.addi %add3A_122, %add3A_148 : i32
      %mul3A_150 = arith.constant 128 : i32
      %mul3A_151 = arith.muli %add3A_149, %mul3A_150 : i32
      %add3A_152 = arith.addi %mul3A_2, %mul3A_151 : i32
      %multiple_of3A_153 = tpu.assume_multiple %add3A_152, 128 : i32
      %dma_start3A_154 = arith.constant 0 : i32
      %dma_start3A_155 = tpu.memref_slice %arg2[%dma_start3A_154, %multiple_of3A_153] : memref<2x320000xi32, #tpu.memory_space<hbm>> -> memref<2x128xi32, #tpu.memory_space<hbm>>
      %dma_start3A_156 = arith.constant 0 : i32
      %dma_start3A_157 = tpu.memref_slice %arg2[%dma_start3A_156, %multiple_of3A_153] : memref<2x320000xi32, #tpu.memory_space<hbm>> -> memref<2x128xi32, #tpu.memory_space<hbm>>
      tpu.enqueue_dma source(%dma_start3A_157 : memref<2x128xi32, #tpu.memory_space<hbm>>) target(%arg8 : memref<2x128xi32, #tpu.memory_space<vmem>>) target_semaphore(%arg13 : memref<!tpu.dma_semaphore, #tpu.memory_space<semaphore_mem>>)
    }
    %scan3A_50 = arith.constant 38 : i32
    %add3A_51 = arith.constant 9856 : i32
    %add3A_52 = arith.addi %mul3A_2, %add3A_51 : i32
    %multiple_of3A_53 = tpu.assume_multiple %add3A_52, 128 : i32
    %dma_wait3A_54 = arith.constant 0 : i32
    %dma_wait3A_55 = tpu.memref_slice %arg2[%dma_wait3A_54, %multiple_of3A_53] : memref<2x320000xi32, #tpu.memory_space<hbm>> -> memref<2x128xi32, #tpu.memory_space<hbm>>
    %dma_wait3A_56 = arith.constant 0 : i32
    %dma_wait3A_57 = tpu.memref_slice %arg2[%dma_wait3A_56, %multiple_of3A_53] : memref<2x320000xi32, #tpu.memory_space<hbm>> -> memref<2x128xi32, #tpu.memory_space<hbm>>
    tpu.wait_dma2 semaphore(%arg13 : memref<!tpu.dma_semaphore, #tpu.memory_space<semaphore_mem>>) src(%dma_wait3A_57 : memref<2x128xi32, #tpu.memory_space<hbm>>) dst(%arg8 : memref<2x128xi32, #tpu.memory_space<vmem>>)
    %dma_start3A_58 = arith.constant 0 : i32
    %dma_start3A_59 = arith.constant 0 : i32
    %dma_start3A_60 = tpu.memref_slice %arg8[%dma_start3A_58, %dma_start3A_59] : memref<2x128xi32, #tpu.memory_space<vmem>> -> memref<1x128xi32, #tpu.memory_space<vmem>>
    %dma_start3A_61 = tpu.memref_squeeze %dma_start3A_60 : memref<1x128xi32, #tpu.memory_space<vmem>> -> memref<128xi32, #tpu.memory_space<vmem>>
    %dma_start3A_62 = arith.constant 0 : i32
    %dma_start3A_63 = arith.constant 0 : i32
    %dma_start3A_64 = tpu.memref_slice %arg3[%dma_start3A_62, %dma_start3A_63] : memref<10000x128xf32, #tpu.memory_space<hbm>> -> memref<10000x128xf32, #tpu.memory_space<hbm>>
    tpu.enqueue_indirect_dma source(%dma_start3A_64 : memref<10000x128xf32, #tpu.memory_space<hbm>>) target(%arg10 : memref<128x128xf32, #tpu.memory_space<vmem>>) offsets(%dma_start3A_61 : memref<128xi32, #tpu.memory_space<vmem>>) semaphore(%arg15 : memref<!tpu.dma_semaphore, #tpu.memory_space<semaphore_mem>>)
    %dma_wait3A_65 = arith.constant 0 : i32
    %dma_wait3A_66 = arith.constant 0 : i32
    %dma_wait3A_67 = tpu.memref_slice %arg7[%dma_wait3A_65, %dma_wait3A_66] : memref<2x128xi32, #tpu.memory_space<vmem>> -> memref<1x128xi32, #tpu.memory_space<vmem>>
    %dma_wait3A_68 = tpu.memref_squeeze %dma_wait3A_67 : memref<1x128xi32, #tpu.memory_space<vmem>> -> memref<128xi32, #tpu.memory_space<vmem>>
    %dma_wait3A_69 = arith.constant 0 : i32
    %dma_wait3A_70 = arith.constant 0 : i32
    %dma_wait3A_71 = tpu.memref_slice %arg3[%dma_wait3A_69, %dma_wait3A_70] : memref<10000x128xf32, #tpu.memory_space<hbm>> -> memref<10000x128xf32, #tpu.memory_space<hbm>>
    tpu.wait_indirect_dma semaphore(%arg14 : memref<!tpu.dma_semaphore, #tpu.memory_space<semaphore_mem>>) src(%dma_wait3A_71 : memref<10000x128xf32, #tpu.memory_space<hbm>>) dst(%arg9 : memref<128x128xf32, #tpu.memory_space<vmem>>)
    %run_scoped3A = arith.constant 1 : i32
    "tpu.region"() ({
      %run_scoped3A_81 = tpu.sem_alloc : memref<!tpu.dma_semaphore, #tpu.memory_space<semaphore_mem>>
      %dma_start3A_82 = arith.constant 0 : i32
      %dma_start3A_83 = tpu.memref_slice %arg7[%run_scoped3A, %dma_start3A_82] : memref<2x128xi32, #tpu.memory_space<vmem>> -> memref<1x128xi32, #tpu.memory_space<vmem>>
      %dma_start3A_84 = tpu.memref_squeeze %dma_start3A_83 : memref<1x128xi32, #tpu.memory_space<vmem>> -> memref<128xi32, #tpu.memory_space<vmem>>
      %dma_start3A_85 = arith.constant 0 : i32
      %dma_start3A_86 = arith.constant 0 : i32
      %dma_start3A_87 = tpu.memref_slice %arg6[%dma_start3A_85, %dma_start3A_86] : memref<10240x128xf32, #tpu.memory_space<vmem_shared>> -> memref<10240x128xf32, #tpu.memory_space<vmem_shared>>
      tpu.enqueue_indirect_dma source(%arg9 : memref<128x128xf32, #tpu.memory_space<vmem>>) target(%dma_start3A_87 : memref<10240x128xf32, #tpu.memory_space<vmem_shared>>) offsets(%dma_start3A_84 : memref<128xi32, #tpu.memory_space<vmem>>) semaphore(%run_scoped3A_81 : memref<!tpu.dma_semaphore, #tpu.memory_space<semaphore_mem>>) {add = true}
      %dma_wait3A_88 = arith.constant 0 : i32
      %dma_wait3A_89 = tpu.memref_slice %arg7[%run_scoped3A, %dma_wait3A_88] : memref<2x128xi32, #tpu.memory_space<vmem>> -> memref<1x128xi32, #tpu.memory_space<vmem>>
      %dma_wait3A_90 = tpu.memref_squeeze %dma_wait3A_89 : memref<1x128xi32, #tpu.memory_space<vmem>> -> memref<128xi32, #tpu.memory_space<vmem>>
      %dma_wait3A_91 = arith.constant 0 : i32
      %dma_wait3A_92 = arith.constant 0 : i32
      %dma_wait3A_93 = tpu.memref_slice %arg6[%dma_wait3A_91, %dma_wait3A_92] : memref<10240x128xf32, #tpu.memory_space<vmem_shared>> -> memref<10240x128xf32, #tpu.memory_space<vmem_shared>>
      tpu.wait_indirect_dma semaphore(%run_scoped3A_81 : memref<!tpu.dma_semaphore, #tpu.memory_space<semaphore_mem>>) src(%arg9 : memref<128x128xf32, #tpu.memory_space<vmem>>) dst(%dma_wait3A_93 : memref<10240x128xf32, #tpu.memory_space<vmem_shared>>)
      tpu.yield
    }) : () -> ()
    %dma_wait3A_72 = arith.constant 0 : i32
    %dma_wait3A_73 = arith.constant 0 : i32
    %dma_wait3A_74 = tpu.memref_slice %arg8[%dma_wait3A_72, %dma_wait3A_73] : memref<2x128xi32, #tpu.memory_space<vmem>> -> memref<1x128xi32, #tpu.memory_space<vmem>>
    %dma_wait3A_75 = tpu.memref_squeeze %dma_wait3A_74 : memref<1x128xi32, #tpu.memory_space<vmem>> -> memref<128xi32, #tpu.memory_space<vmem>>
    %dma_wait3A_76 = arith.constant 0 : i32
    %dma_wait3A_77 = arith.constant 0 : i32
    %dma_wait3A_78 = tpu.memref_slice %arg3[%dma_wait3A_76, %dma_wait3A_77] : memref<10000x128xf32, #tpu.memory_space<hbm>> -> memref<10000x128xf32, #tpu.memory_space<hbm>>
    tpu.wait_indirect_dma semaphore(%arg15 : memref<!tpu.dma_semaphore, #tpu.memory_space<semaphore_mem>>) src(%dma_wait3A_78 : memref<10000x128xf32, #tpu.memory_space<hbm>>) dst(%arg10 : memref<128x128xf32, #tpu.memory_space<vmem>>)
    %run_scoped3A_79 = arith.constant 1 : i32
    "tpu.region"() ({
      %run_scoped3A_81 = tpu.sem_alloc : memref<!tpu.dma_semaphore, #tpu.memory_space<semaphore_mem>>
      %dma_start3A_82 = arith.constant 0 : i32
      %dma_start3A_83 = tpu.memref_slice %arg8[%run_scoped3A_79, %dma_start3A_82] : memref<2x128xi32, #tpu.memory_space<vmem>> -> memref<1x128xi32, #tpu.memory_space<vmem>>
      %dma_start3A_84 = tpu.memref_squeeze %dma_start3A_83 : memref<1x128xi32, #tpu.memory_space<vmem>> -> memref<128xi32, #tpu.memory_space<vmem>>
      %dma_start3A_85 = arith.constant 0 : i32
      %dma_start3A_86 = arith.constant 0 : i32
      %dma_start3A_87 = tpu.memref_slice %arg6[%dma_start3A_85, %dma_start3A_86] : memref<10240x128xf32, #tpu.memory_space<vmem_shared>> -> memref<10240x128xf32, #tpu.memory_space<vmem_shared>>
      tpu.enqueue_indirect_dma source(%arg10 : memref<128x128xf32, #tpu.memory_space<vmem>>) target(%dma_start3A_87 : memref<10240x128xf32, #tpu.memory_space<vmem_shared>>) offsets(%dma_start3A_84 : memref<128xi32, #tpu.memory_space<vmem>>) semaphore(%run_scoped3A_81 : memref<!tpu.dma_semaphore, #tpu.memory_space<semaphore_mem>>) {add = true}
      %dma_wait3A_88 = arith.constant 0 : i32
      %dma_wait3A_89 = tpu.memref_slice %arg8[%run_scoped3A_79, %dma_wait3A_88] : memref<2x128xi32, #tpu.memory_space<vmem>> -> memref<1x128xi32, #tpu.memory_space<vmem>>
      %dma_wait3A_90 = tpu.memref_squeeze %dma_wait3A_89 : memref<1x128xi32, #tpu.memory_space<vmem>> -> memref<128xi32, #tpu.memory_space<vmem>>
      %dma_wait3A_91 = arith.constant 0 : i32
      %dma_wait3A_92 = arith.constant 0 : i32
      %dma_wait3A_93 = tpu.memref_slice %arg6[%dma_wait3A_91, %dma_wait3A_92] : memref<10240x128xf32, #tpu.memory_space<vmem_shared>> -> memref<10240x128xf32, #tpu.memory_space<vmem_shared>>
      tpu.wait_indirect_dma semaphore(%run_scoped3A_81 : memref<!tpu.dma_semaphore, #tpu.memory_space<semaphore_mem>>) src(%arg10 : memref<128x128xf32, #tpu.memory_space<vmem>>) dst(%dma_wait3A_93 : memref<10240x128xf32, #tpu.memory_space<vmem_shared>>)
      tpu.yield
    }) : () -> ()
    %barrier3A_80 = arith.constant 0 : index
    tpu.barrier barrier_id(%barrier3A_80)
    "tpu.region"() ({
      %run_scoped3A_81 = tpu.sem_alloc : memref<!tpu.dma_semaphore, #tpu.memory_space<semaphore_mem>>
      %dma_start3A_82 = arith.constant 0 : i32
      %dma_start3A_83 = arith.constant 0 : i32
      %dma_start3A_84 = tpu.memref_slice %arg5[%arg0, %dma_start3A_82, %dma_start3A_83] : memref<2x10240x128xf32, #tpu.memory_space<hbm>> -> memref<1x10240x128xf32, #tpu.memory_space<hbm>>
      %dma_start3A_85 = tpu.memref_squeeze %dma_start3A_84 : memref<1x10240x128xf32, #tpu.memory_space<hbm>> -> memref<10240x128xf32, #tpu.memory_space<hbm>>
      %dma_start3A_86 = arith.constant 0 : i32
      %dma_start3A_87 = tpu.memref_slice %dma_start3A_85[%mul3A_41, %dma_start3A_86] : memref<10240x128xf32, #tpu.memory_space<hbm>> -> memref<640x128xf32, #tpu.memory_space<hbm>>
      %dma_start3A_88 = arith.constant 0 : i32
      %dma_start3A_89 = tpu.memref_slice %arg6[%mul3A_41, %dma_start3A_88] : memref<10240x128xf32, #tpu.memory_space<vmem_shared>> -> memref<640x128xf32, #tpu.memory_space<vmem_shared>>
      tpu.enqueue_dma source(%dma_start3A_89 : memref<640x128xf32, #tpu.memory_space<vmem_shared>>) target(%dma_start3A_87 : memref<640x128xf32, #tpu.memory_space<hbm>>) target_semaphore(%run_scoped3A_81 : memref<!tpu.dma_semaphore, #tpu.memory_space<semaphore_mem>>)
      %dma_wait3A_90 = arith.constant 0 : i32
      %dma_wait3A_91 = arith.constant 0 : i32
      %dma_wait3A_92 = tpu.memref_slice %arg5[%arg0, %dma_wait3A_90, %dma_wait3A_91] : memref<2x10240x128xf32, #tpu.memory_space<hbm>> -> memref<1x10240x128xf32, #tpu.memory_space<hbm>>
      %dma_wait3A_93 = tpu.memref_squeeze %dma_wait3A_92 : memref<1x10240x128xf32, #tpu.memory_space<hbm>> -> memref<10240x128xf32, #tpu.memory_space<hbm>>
      %dma_wait3A_94 = arith.constant 0 : i32
      %dma_wait3A_95 = tpu.memref_slice %dma_wait3A_93[%mul3A_41, %dma_wait3A_94] : memref<10240x128xf32, #tpu.memory_space<hbm>> -> memref<640x128xf32, #tpu.memory_space<hbm>>
      %dma_wait3A_96 = arith.constant 0 : i32
      %dma_wait3A_97 = tpu.memref_slice %arg6[%mul3A_41, %dma_wait3A_96] : memref<10240x128xf32, #tpu.memory_space<vmem_shared>> -> memref<640x128xf32, #tpu.memory_space<vmem_shared>>
      tpu.wait_dma2 semaphore(%run_scoped3A_81 : memref<!tpu.dma_semaphore, #tpu.memory_space<semaphore_mem>>) src(%dma_wait3A_97 : memref<640x128xf32, #tpu.memory_space<vmem_shared>>) dst(%dma_wait3A_95 : memref<640x128xf32, #tpu.memory_space<hbm>>)
      tpu.yield
    }) : () -> ()
    return
  }
}

#map = affine_map<(d0, d1) -> (0, 0)>
#map1 = affine_map<(d0, d1) -> (0, 0, 0)>
module attributes {stable_mosaic.version = 14 : i64} {
  func.func @segsum(%arg0: i32, %arg1: i32, %arg2: memref<2x320000xi32, #tpu.memory_space<hbm>>, %arg3: memref<10000x128xf32, #tpu.memory_space<hbm>>, %arg4: memref<10240x128xf32, #tpu.memory_space<hbm>>, %arg5: memref<2x10240x128xf32, #tpu.memory_space<hbm>>, %arg6: memref<10240x128xf32, #tpu.memory_space<vmem_shared>>, %arg7: memref<2x128xi32, #tpu.memory_space<vmem>>, %arg8: memref<2x128xi32, #tpu.memory_space<vmem>>, %arg9: memref<128x128xf32, #tpu.memory_space<vmem>>, %arg10: memref<128x128xf32, #tpu.memory_space<vmem>>, %arg11: memref<2x128xi32, #tpu.memory_space<vmem>>, %arg12: memref<!tpu.dma_semaphore, #tpu.memory_space<semaphore_mem>>, %arg13: memref<!tpu.dma_semaphore, #tpu.memory_space<semaphore_mem>>, %arg14: memref<!tpu.dma_semaphore, #tpu.memory_space<semaphore_mem>>, %arg15: memref<!tpu.dma_semaphore, #tpu.memory_space<semaphore_mem>>, %arg16: memref<!tpu.dma_semaphore, #tpu.memory_space<semaphore_mem>>, %arg17: memref<!tpu.dma_semaphore, #tpu.memory_space<semaphore_mem>>) attributes {dimension_semantics = [#tpu.dimension_semantics<core_parallel>, #tpu.dimension_semantics<subcore_parallel>], iteration_bounds = array<i64: 2, 16>, scalar_prefetch = 0 : i64, scratch_operands = 12 : i64, tpu.core_type = #tpu.core_type<sc_vector_subcore>, window_params = [{transform_indices = #map}, {transform_indices = #map}, {transform_indices = #map}, {transform_indices = #map1}]} {
    %mul3A = arith.constant 2 : i32
    %mul3A_0 = arith.muli %arg1, %mul3A : i32
    %add3A = arith.addi %mul3A_0, %arg0 : i32
    %mul3A_1 = arith.constant 9984 : i32
    %mul3A_2 = arith.muli %add3A, %mul3A_1 : i32
    %add3A_3 = arith.constant 2496 : i32
    %add3A_4 = arith.addi %add3A_3, %add3A : i32
    %mul3A_5 = arith.constant 128 : i32
    %mul3A_6 = arith.muli %add3A_4, %mul3A_5 : i32
    %multiple_of3A = tpu.assume_multiple %mul3A_6, 128 : i32
    %add3A_7 = arith.constant 0 : i32
    %add3A_8 = arith.addi %mul3A_2, %add3A_7 : i32
    %multiple_of3A_9 = tpu.assume_multiple %add3A_8, 128 : i32
    %dma_start3A = arith.constant 0 : i32
    %dma_start3A_10 = tpu.memref_slice %arg2[%dma_start3A, %multiple_of3A_9] : memref<2x320000xi32, #tpu.memory_space<hbm>> -> memref<2x128xi32, #tpu.memory_space<hbm>>
    %dma_start3A_11 = arith.constant 0 : i32
    %dma_start3A_12 = tpu.memref_slice %arg2[%dma_start3A_11, %multiple_of3A_9] : memref<2x320000xi32, #tpu.memory_space<hbm>> -> memref<2x128xi32, #tpu.memory_space<hbm>>
    tpu.enqueue_dma source(%dma_start3A_12 : memref<2x128xi32, #tpu.memory_space<hbm>>) target(%arg7 : memref<2x128xi32, #tpu.memory_space<vmem>>) target_semaphore(%arg12 : memref<!tpu.dma_semaphore, #tpu.memory_space<semaphore_mem>>)
    %add3A_13 = arith.constant 128 : i32
    %add3A_14 = arith.addi %mul3A_2, %add3A_13 : i32
    %multiple_of3A_15 = tpu.assume_multiple %add3A_14, 128 : i32
    %dma_start3A_16 = arith.constant 0 : i32
    %dma_start3A_17 = tpu.memref_slice %arg2[%dma_start3A_16, %multiple_of3A_15] : memref<2x320000xi32, #tpu.memory_space<hbm>> -> memref<2x128xi32, #tpu.memory_space<hbm>>
    %dma_start3A_18 = arith.constant 0 : i32
    %dma_start3A_19 = tpu.memref_slice %arg2[%dma_start3A_18, %multiple_of3A_15] : memref<2x320000xi32, #tpu.memory_space<hbm>> -> memref<2x128xi32, #tpu.memory_space<hbm>>
    tpu.enqueue_dma source(%dma_start3A_19 : memref<2x128xi32, #tpu.memory_space<hbm>>) target(%arg8 : memref<2x128xi32, #tpu.memory_space<vmem>>) target_semaphore(%arg13 : memref<!tpu.dma_semaphore, #tpu.memory_space<semaphore_mem>>)
    %lt3A = arith.constant 4 : i32
    %lt3A_20 = arith.cmpi slt, %add3A, %lt3A : i32
    %convert_element_type3A = arith.extui %lt3A_20 : i1 to i32
    %cond3A = arith.constant 0 : i32
    %cond3A_21 = arith.cmpi ne, %convert_element_type3A, %cond3A : i32
    scf.if %cond3A_21 {
      %dma_start3A_81 = arith.constant 0 : i32
      %dma_start3A_82 = tpu.memref_slice %arg2[%dma_start3A_81, %multiple_of3A] : memref<2x320000xi32, #tpu.memory_space<hbm>> -> memref<2x128xi32, #tpu.memory_space<hbm>>
      %dma_start3A_83 = arith.constant 0 : i32
      %dma_start3A_84 = tpu.memref_slice %arg2[%dma_start3A_83, %multiple_of3A] : memref<2x320000xi32, #tpu.memory_space<hbm>> -> memref<2x128xi32, #tpu.memory_space<hbm>>
      tpu.enqueue_dma source(%dma_start3A_84 : memref<2x128xi32, #tpu.memory_space<hbm>>) target(%arg11 : memref<2x128xi32, #tpu.memory_space<vmem>>) target_semaphore(%arg16 : memref<!tpu.dma_semaphore, #tpu.memory_space<semaphore_mem>>)
    } else {
    }
    %add3A_22 = arith.constant 0 : i32
    %add3A_23 = arith.addi %mul3A_2, %add3A_22 : i32
    %multiple_of3A_24 = tpu.assume_multiple %add3A_23, 128 : i32
    %dma_wait3A = arith.constant 0 : i32
    %dma_wait3A_25 = tpu.memref_slice %arg2[%dma_wait3A, %multiple_of3A_24] : memref<2x320000xi32, #tpu.memory_space<hbm>> -> memref<2x128xi32, #tpu.memory_space<hbm>>
    %dma_wait3A_26 = arith.constant 0 : i32
    %dma_wait3A_27 = tpu.memref_slice %arg2[%dma_wait3A_26, %multiple_of3A_24] : memref<2x320000xi32, #tpu.memory_space<hbm>> -> memref<2x128xi32, #tpu.memory_space<hbm>>
    tpu.wait_dma2 semaphore(%arg12 : memref<!tpu.dma_semaphore, #tpu.memory_space<semaphore_mem>>) src(%dma_wait3A_27 : memref<2x128xi32, #tpu.memory_space<hbm>>) dst(%arg7 : memref<2x128xi32, #tpu.memory_space<vmem>>)
    %dma_start3A_28 = arith.constant 0 : i32
    %dma_start3A_29 = arith.constant 0 : i32
    %dma_start3A_30 = tpu.memref_slice %arg7[%dma_start3A_28, %dma_start3A_29] : memref<2x128xi32, #tpu.memory_space<vmem>> -> memref<1x128xi32, #tpu.memory_space<vmem>>
    %dma_start3A_31 = tpu.memref_squeeze %dma_start3A_30 : memref<1x128xi32, #tpu.memory_space<vmem>> -> memref<128xi32, #tpu.memory_space<vmem>>
    %dma_start3A_32 = arith.constant 0 : i32
    %dma_start3A_33 = arith.constant 0 : i32
    %dma_start3A_34 = tpu.memref_slice %arg3[%dma_start3A_32, %dma_start3A_33] : memref<10000x128xf32, #tpu.memory_space<hbm>> -> memref<10000x128xf32, #tpu.memory_space<hbm>>
    tpu.enqueue_indirect_dma source(%dma_start3A_34 : memref<10000x128xf32, #tpu.memory_space<hbm>>) target(%arg9 : memref<128x128xf32, #tpu.memory_space<vmem>>) offsets(%dma_start3A_31 : memref<128xi32, #tpu.memory_space<vmem>>) semaphore(%arg14 : memref<!tpu.dma_semaphore, #tpu.memory_space<semaphore_mem>>)
    %lt3A_35 = arith.constant 4 : i32
    %lt3A_36 = arith.cmpi slt, %add3A, %lt3A_35 : i32
    %convert_element_type3A_37 = arith.extui %lt3A_36 : i1 to i32
    %cond3A_38 = arith.constant 0 : i32
    %cond3A_39 = arith.cmpi ne, %convert_element_type3A_37, %cond3A_38 : i32
    scf.if %cond3A_39 {
      %dma_wait3A_81 = arith.constant 0 : i32
      %dma_wait3A_82 = tpu.memref_slice %arg2[%dma_wait3A_81, %multiple_of3A] : memref<2x320000xi32, #tpu.memory_space<hbm>> -> memref<2x128xi32, #tpu.memory_space<hbm>>
      %dma_wait3A_83 = arith.constant 0 : i32
      %dma_wait3A_84 = tpu.memref_slice %arg2[%dma_wait3A_83, %multiple_of3A] : memref<2x320000xi32, #tpu.memory_space<hbm>> -> memref<2x128xi32, #tpu.memory_space<hbm>>
      tpu.wait_dma2 semaphore(%arg16 : memref<!tpu.dma_semaphore, #tpu.memory_space<semaphore_mem>>) src(%dma_wait3A_84 : memref<2x128xi32, #tpu.memory_space<hbm>>) dst(%arg11 : memref<2x128xi32, #tpu.memory_space<vmem>>)
      %dma_start3A_85 = arith.constant 0 : i32
      %dma_start3A_86 = arith.constant 0 : i32
      %dma_start3A_87 = tpu.memref_slice %arg11[%dma_start3A_85, %dma_start3A_86] : memref<2x128xi32, #tpu.memory_space<vmem>> -> memref<1x128xi32, #tpu.memory_space<vmem>>
      %dma_start3A_88 = tpu.memref_squeeze %dma_start3A_87 : memref<1x128xi32, #tpu.memory_space<vmem>> -> memref<128xi32, #tpu.memory_space<vmem>>
      %dma_start3A_89 = arith.constant 0 : i32
      %dma_start3A_90 = arith.constant 0 : i32
      %dma_start3A_91 = tpu.memref_slice %arg3[%dma_start3A_89, %dma_start3A_90] : memref<10000x128xf32, #tpu.memory_space<hbm>> -> memref<10000x128xf32, #tpu.memory_space<hbm>>
      tpu.enqueue_indirect_dma source(%dma_start3A_91 : memref<10000x128xf32, #tpu.memory_space<hbm>>) target(%arg10 : memref<128x128xf32, #tpu.memory_space<vmem>>) offsets(%dma_start3A_88 : memref<128xi32, #tpu.memory_space<vmem>>) semaphore(%arg17 : memref<!tpu.dma_semaphore, #tpu.memory_space<semaphore_mem>>)
    } else {
    }
    %mul3A_40 = arith.constant 640 : i32
    %mul3A_41 = arith.muli %arg1, %mul3A_40 : i32
    "tpu.region"() ({
      %run_scoped3A_81 = tpu.sem_alloc : memref<!tpu.dma_semaphore, #tpu.memory_space<semaphore_mem>>
      %dma_start3A_82 = arith.constant 0 : i32
      %dma_start3A_83 = tpu.memref_slice %arg6[%mul3A_41, %dma_start3A_82] : memref<10240x128xf32, #tpu.memory_space<vmem_shared>> -> memref<640x128xf32, #tpu.memory_space<vmem_shared>>
      %dma_start3A_84 = arith.constant 0 : i32
      %dma_start3A_85 = tpu.memref_slice %arg4[%mul3A_41, %dma_start3A_84] : memref<10240x128xf32, #tpu.memory_space<hbm>> -> memref<640x128xf32, #tpu.memory_space<hbm>>
      tpu.enqueue_dma source(%dma_start3A_85 : memref<640x128xf32, #tpu.memory_space<hbm>>) target(%dma_start3A_83 : memref<640x128xf32, #tpu.memory_space<vmem_shared>>) target_semaphore(%run_scoped3A_81 : memref<!tpu.dma_semaphore, #tpu.memory_space<semaphore_mem>>)
      %dma_wait3A_86 = arith.constant 0 : i32
      %dma_wait3A_87 = tpu.memref_slice %arg6[%mul3A_41, %dma_wait3A_86] : memref<10240x128xf32, #tpu.memory_space<vmem_shared>> -> memref<640x128xf32, #tpu.memory_space<vmem_shared>>
      %dma_wait3A_88 = arith.constant 0 : i32
      %dma_wait3A_89 = tpu.memref_slice %arg4[%mul3A_41, %dma_wait3A_88] : memref<10240x128xf32, #tpu.memory_space<hbm>> -> memref<640x128xf32, #tpu.memory_space<hbm>>
      tpu.wait_dma2 semaphore(%run_scoped3A_81 : memref<!tpu.dma_semaphore, #tpu.memory_space<semaphore_mem>>) src(%dma_wait3A_89 : memref<640x128xf32, #tpu.memory_space<hbm>>) dst(%dma_wait3A_87 : memref<640x128xf32, #tpu.memory_space<vmem_shared>>)
      tpu.yield
    }) : () -> ()
    %barrier3A = arith.constant 0 : index
    tpu.barrier barrier_id(%barrier3A)
    %lt3A_42 = arith.constant 4 : i32
    %lt3A_43 = arith.cmpi slt, %add3A, %lt3A_42 : i32
    %convert_element_type3A_44 = arith.extui %lt3A_43 : i1 to i32
    %cond3A_45 = arith.constant 0 : i32
    %cond3A_46 = arith.cmpi ne, %convert_element_type3A_44, %cond3A_45 : i32
    scf.if %cond3A_46 {
      %dma_wait3A_81 = arith.constant 0 : i32
      %dma_wait3A_82 = arith.constant 0 : i32
      %dma_wait3A_83 = tpu.memref_slice %arg11[%dma_wait3A_81, %dma_wait3A_82] : memref<2x128xi32, #tpu.memory_space<vmem>> -> memref<1x128xi32, #tpu.memory_space<vmem>>
      %dma_wait3A_84 = tpu.memref_squeeze %dma_wait3A_83 : memref<1x128xi32, #tpu.memory_space<vmem>> -> memref<128xi32, #tpu.memory_space<vmem>>
      %dma_wait3A_85 = arith.constant 0 : i32
      %dma_wait3A_86 = arith.constant 0 : i32
      %dma_wait3A_87 = tpu.memref_slice %arg3[%dma_wait3A_85, %dma_wait3A_86] : memref<10000x128xf32, #tpu.memory_space<hbm>> -> memref<10000x128xf32, #tpu.memory_space<hbm>>
      tpu.wait_indirect_dma semaphore(%arg17 : memref<!tpu.dma_semaphore, #tpu.memory_space<semaphore_mem>>) src(%dma_wait3A_87 : memref<10000x128xf32, #tpu.memory_space<hbm>>) dst(%arg10 : memref<128x128xf32, #tpu.memory_space<vmem>>)
      %run_scoped3A_88 = arith.constant 1 : i32
      "tpu.region"() ({
        %run_scoped3A_89 = tpu.sem_alloc : memref<!tpu.dma_semaphore, #tpu.memory_space<semaphore_mem>>
        %dma_start3A_90 = arith.constant 0 : i32
        %dma_start3A_91 = tpu.memref_slice %arg11[%run_scoped3A_88, %dma_start3A_90] : memref<2x128xi32, #tpu.memory_space<vmem>> -> memref<1x128xi32, #tpu.memory_space<vmem>>
        %dma_start3A_92 = tpu.memref_squeeze %dma_start3A_91 : memref<1x128xi32, #tpu.memory_space<vmem>> -> memref<128xi32, #tpu.memory_space<vmem>>
        %dma_start3A_93 = arith.constant 0 : i32
        %dma_start3A_94 = arith.constant 0 : i32
        %dma_start3A_95 = tpu.memref_slice %arg6[%dma_start3A_93, %dma_start3A_94] : memref<10240x128xf32, #tpu.memory_space<vmem_shared>> -> memref<10240x128xf32, #tpu.memory_space<vmem_shared>>
        tpu.enqueue_indirect_dma source(%arg10 : memref<128x128xf32, #tpu.memory_space<vmem>>) target(%dma_start3A_95 : memref<10240x128xf32, #tpu.memory_space<vmem_shared>>) offsets(%dma_start3A_92 : memref<128xi32, #tpu.memory_space<vmem>>) semaphore(%run_scoped3A_89 : memref<!tpu.dma_semaphore, #tpu.memory_space<semaphore_mem>>) {add = true}
        %dma_wait3A_96 = arith.constant 0 : i32
        %dma_wait3A_97 = tpu.memref_slice %arg11[%run_scoped3A_88, %dma_wait3A_96] : memref<2x128xi32, #tpu.memory_space<vmem>> -> memref<1x128xi32, #tpu.memory_space<vmem>>
        %dma_wait3A_98 = tpu.memref_squeeze %dma_wait3A_97 : memref<1x128xi32, #tpu.memory_space<vmem>> -> memref<128xi32, #tpu.memory_space<vmem>>
        %dma_wait3A_99 = arith.constant 0 : i32
        %dma_wait3A_100 = arith.constant 0 : i32
        %dma_wait3A_101 = tpu.memref_slice %arg6[%dma_wait3A_99, %dma_wait3A_100] : memref<10240x128xf32, #tpu.memory_space<vmem_shared>> -> memref<10240x128xf32, #tpu.memory_space<vmem_shared>>
        tpu.wait_indirect_dma semaphore(%run_scoped3A_89 : memref<!tpu.dma_semaphore, #tpu.memory_space<semaphore_mem>>) src(%arg10 : memref<128x128xf32, #tpu.memory_space<vmem>>) dst(%dma_wait3A_101 : memref<10240x128xf32, #tpu.memory_space<vmem_shared>>)
        tpu.yield
      }) : () -> ()
    } else {
    }
    %scan3A = arith.constant 0 : i32
    %scan3A_47 = arith.constant 38 : i32
    %scan3A_48 = arith.addi %scan3A, %scan3A_47 : i32
    %scan3A_49 = arith.constant 1 : i32
    scf.for %scan3A_81 = %scan3A to %scan3A_48 step %scan3A_49  : i32 {
      %mul3A_82 = arith.constant 2 : i32
      %mul3A_83 = arith.muli %scan3A_81, %mul3A_82 : i32
      %add3A_84 = arith.constant 0 : i32
      %add3A_85 = arith.addi %add3A_84, %mul3A_83 : i32
      %add3A_86 = arith.constant 1 : i32
      %add3A_87 = arith.addi %add3A_85, %add3A_86 : i32
      %mul3A_88 = arith.constant 128 : i32
      %mul3A_89 = arith.muli %add3A_87, %mul3A_88 : i32
      %add3A_90 = arith.addi %mul3A_2, %mul3A_89 : i32
      %multiple_of3A_91 = tpu.assume_multiple %add3A_90, 128 : i32
      %dma_wait3A_92 = arith.constant 0 : i32
      %dma_wait3A_93 = tpu.memref_slice %arg2[%dma_wait3A_92, %multiple_of3A_91] : memref<2x320000xi32, #tpu.memory_space<hbm>> -> memref<2x128xi32, #tpu.memory_space<hbm>>
      %dma_wait3A_94 = arith.constant 0 : i32
      %dma_wait3A_95 = tpu.memref_slice %arg2[%dma_wait3A_94, %multiple_of3A_91] : memref<2x320000xi32, #tpu.memory_space<hbm>> -> memref<2x128xi32, #tpu.memory_space<hbm>>
      tpu.wait_dma2 semaphore(%arg13 : memref<!tpu.dma_semaphore, #tpu.memory_space<semaphore_mem>>) src(%dma_wait3A_95 : memref<2x128xi32, #tpu.memory_space<hbm>>) dst(%arg8 : memref<2x128xi32, #tpu.memory_space<vmem>>)
      %dma_start3A_96 = arith.constant 0 : i32
      %dma_start3A_97 = arith.constant 0 : i32
      %dma_start3A_98 = tpu.memref_slice %arg8[%dma_start3A_96, %dma_start3A_97] : memref<2x128xi32, #tpu.memory_space<vmem>> -> memref<1x128xi32, #tpu.memory_space<vmem>>
      %dma_start3A_99 = tpu.memref_squeeze %dma_start3A_98 : memref<1x128xi32, #tpu.memory_space<vmem>> -> memref<128xi32, #tpu.memory_space<vmem>>
      %dma_start3A_100 = arith.constant 0 : i32
      %dma_start3A_101 = arith.constant 0 : i32
      %dma_start3A_102 = tpu.memref_slice %arg3[%dma_start3A_100, %dma_start3A_101] : memref<10000x128xf32, #tpu.memory_space<hbm>> -> memref<10000x128xf32, #tpu.memory_space<hbm>>
      tpu.enqueue_indirect_dma source(%dma_start3A_102 : memref<10000x128xf32, #tpu.memory_space<hbm>>) target(%arg10 : memref<128x128xf32, #tpu.memory_space<vmem>>) offsets(%dma_start3A_99 : memref<128xi32, #tpu.memory_space<vmem>>) semaphore(%arg15 : memref<!tpu.dma_semaphore, #tpu.memory_space<semaphore_mem>>)
      %dma_wait3A_103 = arith.constant 0 : i32
      %dma_wait3A_104 = arith.constant 0 : i32
      %dma_wait3A_105 = tpu.memref_slice %arg7[%dma_wait3A_103, %dma_wait3A_104] : memref<2x128xi32, #tpu.memory_space<vmem>> -> memref<1x128xi32, #tpu.memory_space<vmem>>
      %dma_wait3A_106 = tpu.memref_squeeze %dma_wait3A_105 : memref<1x128xi32, #tpu.memory_space<vmem>> -> memref<128xi32, #tpu.memory_space<vmem>>
      %dma_wait3A_107 = arith.constant 0 : i32
      %dma_wait3A_108 = arith.constant 0 : i32
      %dma_wait3A_109 = tpu.memref_slice %arg3[%dma_wait3A_107, %dma_wait3A_108] : memref<10000x128xf32, #tpu.memory_space<hbm>> -> memref<10000x128xf32, #tpu.memory_space<hbm>>
      tpu.wait_indirect_dma semaphore(%arg14 : memref<!tpu.dma_semaphore, #tpu.memory_space<semaphore_mem>>) src(%dma_wait3A_109 : memref<10000x128xf32, #tpu.memory_space<hbm>>) dst(%arg9 : memref<128x128xf32, #tpu.memory_space<vmem>>)
      %run_scoped3A_110 = arith.constant 1 : i32
      "tpu.region"() ({
        %run_scoped3A_158 = tpu.sem_alloc : memref<!tpu.dma_semaphore, #tpu.memory_space<semaphore_mem>>
        %dma_start3A_159 = arith.constant 0 : i32
        %dma_start3A_160 = tpu.memref_slice %arg7[%run_scoped3A_110, %dma_start3A_159] : memref<2x128xi32, #tpu.memory_space<vmem>> -> memref<1x128xi32, #tpu.memory_space<vmem>>
        %dma_start3A_161 = tpu.memref_squeeze %dma_start3A_160 : memref<1x128xi32, #tpu.memory_space<vmem>> -> memref<128xi32, #tpu.memory_space<vmem>>
        %dma_start3A_162 = arith.constant 0 : i32
        %dma_start3A_163 = arith.constant 0 : i32
        %dma_start3A_164 = tpu.memref_slice %arg6[%dma_start3A_162, %dma_start3A_163] : memref<10240x128xf32, #tpu.memory_space<vmem_shared>> -> memref<10240x128xf32, #tpu.memory_space<vmem_shared>>
        tpu.enqueue_indirect_dma source(%arg9 : memref<128x128xf32, #tpu.memory_space<vmem>>) target(%dma_start3A_164 : memref<10240x128xf32, #tpu.memory_space<vmem_shared>>) offsets(%dma_start3A_161 : memref<128xi32, #tpu.memory_space<vmem>>) semaphore(%run_scoped3A_158 : memref<!tpu.dma_semaphore, #tpu.memory_space<semaphore_mem>>) {add = true}
        %dma_wait3A_165 = arith.constant 0 : i32
        %dma_wait3A_166 = tpu.memref_slice %arg7[%run_scoped3A_110, %dma_wait3A_165] : memref<2x128xi32, #tpu.memory_space<vmem>> -> memref<1x128xi32, #tpu.memory_space<vmem>>
        %dma_wait3A_167 = tpu.memref_squeeze %dma_wait3A_166 : memref<1x128xi32, #tpu.memory_space<vmem>> -> memref<128xi32, #tpu.memory_space<vmem>>
        %dma_wait3A_168 = arith.constant 0 : i32
        %dma_wait3A_169 = arith.constant 0 : i32
        %dma_wait3A_170 = tpu.memref_slice %arg6[%dma_wait3A_168, %dma_wait3A_169] : memref<10240x128xf32, #tpu.memory_space<vmem_shared>> -> memref<10240x128xf32, #tpu.memory_space<vmem_shared>>
        tpu.wait_indirect_dma semaphore(%run_scoped3A_158 : memref<!tpu.dma_semaphore, #tpu.memory_space<semaphore_mem>>) src(%arg9 : memref<128x128xf32, #tpu.memory_space<vmem>>) dst(%dma_wait3A_170 : memref<10240x128xf32, #tpu.memory_space<vmem_shared>>)
        tpu.yield
      }) : () -> ()
      %add3A_111 = arith.constant 2 : i32
      %add3A_112 = arith.addi %add3A_85, %add3A_111 : i32
      %mul3A_113 = arith.constant 128 : i32
      %mul3A_114 = arith.muli %add3A_112, %mul3A_113 : i32
      %add3A_115 = arith.addi %mul3A_2, %mul3A_114 : i32
      %multiple_of3A_116 = tpu.assume_multiple %add3A_115, 128 : i32
      %dma_start3A_117 = arith.constant 0 : i32
      %dma_start3A_118 = tpu.memref_slice %arg2[%dma_start3A_117, %multiple_of3A_116] : memref<2x320000xi32, #tpu.memory_space<hbm>> -> memref<2x128xi32, #tpu.memory_space<hbm>>
      %dma_start3A_119 = arith.constant 0 : i32
      %dma_start3A_120 = tpu.memref_slice %arg2[%dma_start3A_119, %multiple_of3A_116] : memref<2x320000xi32, #tpu.memory_space<hbm>> -> memref<2x128xi32, #tpu.memory_space<hbm>>
      tpu.enqueue_dma source(%dma_start3A_120 : memref<2x128xi32, #tpu.memory_space<hbm>>) target(%arg7 : memref<2x128xi32, #tpu.memory_space<vmem>>) target_semaphore(%arg12 : memref<!tpu.dma_semaphore, #tpu.memory_space<semaphore_mem>>)
      %add3A_121 = arith.constant 1 : i32
      %add3A_122 = arith.addi %add3A_85, %add3A_121 : i32
      %add3A_123 = arith.constant 1 : i32
      %add3A_124 = arith.addi %add3A_122, %add3A_123 : i32
      %mul3A_125 = arith.constant 128 : i32
      %mul3A_126 = arith.muli %add3A_124, %mul3A_125 : i32
      %add3A_127 = arith.addi %mul3A_2, %mul3A_126 : i32
      %multiple_of3A_128 = tpu.assume_multiple %add3A_127, 128 : i32
      %dma_wait3A_129 = arith.constant 0 : i32
      %dma_wait3A_130 = tpu.memref_slice %arg2[%dma_wait3A_129, %multiple_of3A_128] : memref<2x320000xi32, #tpu.memory_space<hbm>> -> memref<2x128xi32, #tpu.memory_space<hbm>>
      %dma_wait3A_131 = arith.constant 0 : i32
      %dma_wait3A_132 = tpu.memref_slice %arg2[%dma_wait3A_131, %multiple_of3A_128] : memref<2x320000xi32, #tpu.memory_space<hbm>> -> memref<2x128xi32, #tpu.memory_space<hbm>>
      tpu.wait_dma2 semaphore(%arg12 : memref<!tpu.dma_semaphore, #tpu.memory_space<semaphore_mem>>) src(%dma_wait3A_132 : memref<2x128xi32, #tpu.memory_space<hbm>>) dst(%arg7 : memref<2x128xi32, #tpu.memory_space<vmem>>)
      %dma_start3A_133 = arith.constant 0 : i32
      %dma_start3A_134 = arith.constant 0 : i32
      %dma_start3A_135 = tpu.memref_slice %arg7[%dma_start3A_133, %dma_start3A_134] : memref<2x128xi32, #tpu.memory_space<vmem>> -> memref<1x128xi32, #tpu.memory_space<vmem>>
      %dma_start3A_136 = tpu.memref_squeeze %dma_start3A_135 : memref<1x128xi32, #tpu.memory_space<vmem>> -> memref<128xi32, #tpu.memory_space<vmem>>
      %dma_start3A_137 = arith.constant 0 : i32
      %dma_start3A_138 = arith.constant 0 : i32
      %dma_start3A_139 = tpu.memref_slice %arg3[%dma_start3A_137, %dma_start3A_138] : memref<10000x128xf32, #tpu.memory_space<hbm>> -> memref<10000x128xf32, #tpu.memory_space<hbm>>
      tpu.enqueue_indirect_dma source(%dma_start3A_139 : memref<10000x128xf32, #tpu.memory_space<hbm>>) target(%arg9 : memref<128x128xf32, #tpu.memory_space<vmem>>) offsets(%dma_start3A_136 : memref<128xi32, #tpu.memory_space<vmem>>) semaphore(%arg14 : memref<!tpu.dma_semaphore, #tpu.memory_space<semaphore_mem>>)
      %dma_wait3A_140 = arith.constant 0 : i32
      %dma_wait3A_141 = arith.constant 0 : i32
      %dma_wait3A_142 = tpu.memref_slice %arg8[%dma_wait3A_140, %dma_wait3A_141] : memref<2x128xi32, #tpu.memory_space<vmem>> -> memref<1x128xi32, #tpu.memory_space<vmem>>
      %dma_wait3A_143 = tpu.memref_squeeze %dma_wait3A_142 : memref<1x128xi32, #tpu.memory_space<vmem>> -> memref<128xi32, #tpu.memory_space<vmem>>
      %dma_wait3A_144 = arith.constant 0 : i32
      %dma_wait3A_145 = arith.constant 0 : i32
      %dma_wait3A_146 = tpu.memref_slice %arg3[%dma_wait3A_144, %dma_wait3A_145] : memref<10000x128xf32, #tpu.memory_space<hbm>> -> memref<10000x128xf32, #tpu.memory_space<hbm>>
      tpu.wait_indirect_dma semaphore(%arg15 : memref<!tpu.dma_semaphore, #tpu.memory_space<semaphore_mem>>) src(%dma_wait3A_146 : memref<10000x128xf32, #tpu.memory_space<hbm>>) dst(%arg10 : memref<128x128xf32, #tpu.memory_space<vmem>>)
      %run_scoped3A_147 = arith.constant 1 : i32
      "tpu.region"() ({
        %run_scoped3A_158 = tpu.sem_alloc : memref<!tpu.dma_semaphore, #tpu.memory_space<semaphore_mem>>
        %dma_start3A_159 = arith.constant 0 : i32
        %dma_start3A_160 = tpu.memref_slice %arg8[%run_scoped3A_147, %dma_start3A_159] : memref<2x128xi32, #tpu.memory_space<vmem>> -> memref<1x128xi32, #tpu.memory_space<vmem>>
        %dma_start3A_161 = tpu.memref_squeeze %dma_start3A_160 : memref<1x128xi32, #tpu.memory_space<vmem>> -> memref<128xi32, #tpu.memory_space<vmem>>
        %dma_start3A_162 = arith.constant 0 : i32
        %dma_start3A_163 = arith.constant 0 : i32
        %dma_start3A_164 = tpu.memref_slice %arg6[%dma_start3A_162, %dma_start3A_163] : memref<10240x128xf32, #tpu.memory_space<vmem_shared>> -> memref<10240x128xf32, #tpu.memory_space<vmem_shared>>
        tpu.enqueue_indirect_dma source(%arg10 : memref<128x128xf32, #tpu.memory_space<vmem>>) target(%dma_start3A_164 : memref<10240x128xf32, #tpu.memory_space<vmem_shared>>) offsets(%dma_start3A_161 : memref<128xi32, #tpu.memory_space<vmem>>) semaphore(%run_scoped3A_158 : memref<!tpu.dma_semaphore, #tpu.memory_space<semaphore_mem>>) {add = true}
        %dma_wait3A_165 = arith.constant 0 : i32
        %dma_wait3A_166 = tpu.memref_slice %arg8[%run_scoped3A_147, %dma_wait3A_165] : memref<2x128xi32, #tpu.memory_space<vmem>> -> memref<1x128xi32, #tpu.memory_space<vmem>>
        %dma_wait3A_167 = tpu.memref_squeeze %dma_wait3A_166 : memref<1x128xi32, #tpu.memory_space<vmem>> -> memref<128xi32, #tpu.memory_space<vmem>>
        %dma_wait3A_168 = arith.constant 0 : i32
        %dma_wait3A_169 = arith.constant 0 : i32
        %dma_wait3A_170 = tpu.memref_slice %arg6[%dma_wait3A_168, %dma_wait3A_169] : memref<10240x128xf32, #tpu.memory_space<vmem_shared>> -> memref<10240x128xf32, #tpu.memory_space<vmem_shared>>
        tpu.wait_indirect_dma semaphore(%run_scoped3A_158 : memref<!tpu.dma_semaphore, #tpu.memory_space<semaphore_mem>>) src(%arg10 : memref<128x128xf32, #tpu.memory_space<vmem>>) dst(%dma_wait3A_170 : memref<10240x128xf32, #tpu.memory_space<vmem_shared>>)
        tpu.yield
      }) : () -> ()
      %add3A_148 = arith.constant 2 : i32
      %add3A_149 = arith.addi %add3A_122, %add3A_148 : i32
      %mul3A_150 = arith.constant 128 : i32
      %mul3A_151 = arith.muli %add3A_149, %mul3A_150 : i32
      %add3A_152 = arith.addi %mul3A_2, %mul3A_151 : i32
      %multiple_of3A_153 = tpu.assume_multiple %add3A_152, 128 : i32
      %dma_start3A_154 = arith.constant 0 : i32
      %dma_start3A_155 = tpu.memref_slice %arg2[%dma_start3A_154, %multiple_of3A_153] : memref<2x320000xi32, #tpu.memory_space<hbm>> -> memref<2x128xi32, #tpu.memory_space<hbm>>
      %dma_start3A_156 = arith.constant 0 : i32
      %dma_start3A_157 = tpu.memref_slice %arg2[%dma_start3A_156, %multiple_of3A_153] : memref<2x320000xi32, #tpu.memory_space<hbm>> -> memref<2x128xi32, #tpu.memory_space<hbm>>
      tpu.enqueue_dma source(%dma_start3A_157 : memref<2x128xi32, #tpu.memory_space<hbm>>) target(%arg8 : memref<2x128xi32, #tpu.memory_space<vmem>>) target_semaphore(%arg13 : memref<!tpu.dma_semaphore, #tpu.memory_space<semaphore_mem>>)
    }
    %scan3A_50 = arith.constant 38 : i32
    %add3A_51 = arith.constant 9856 : i32
    %add3A_52 = arith.addi %mul3A_2, %add3A_51 : i32
    %multiple_of3A_53 = tpu.assume_multiple %add3A_52, 128 : i32
    %dma_wait3A_54 = arith.constant 0 : i32
    %dma_wait3A_55 = tpu.memref_slice %arg2[%dma_wait3A_54, %multiple_of3A_53] : memref<2x320000xi32, #tpu.memory_space<hbm>> -> memref<2x128xi32, #tpu.memory_space<hbm>>
    %dma_wait3A_56 = arith.constant 0 : i32
    %dma_wait3A_57 = tpu.memref_slice %arg2[%dma_wait3A_56, %multiple_of3A_53] : memref<2x320000xi32, #tpu.memory_space<hbm>> -> memref<2x128xi32, #tpu.memory_space<hbm>>
    tpu.wait_dma2 semaphore(%arg13 : memref<!tpu.dma_semaphore, #tpu.memory_space<semaphore_mem>>) src(%dma_wait3A_57 : memref<2x128xi32, #tpu.memory_space<hbm>>) dst(%arg8 : memref<2x128xi32, #tpu.memory_space<vmem>>)
    %dma_start3A_58 = arith.constant 0 : i32
    %dma_start3A_59 = arith.constant 0 : i32
    %dma_start3A_60 = tpu.memref_slice %arg8[%dma_start3A_58, %dma_start3A_59] : memref<2x128xi32, #tpu.memory_space<vmem>> -> memref<1x128xi32, #tpu.memory_space<vmem>>
    %dma_start3A_61 = tpu.memref_squeeze %dma_start3A_60 : memref<1x128xi32, #tpu.memory_space<vmem>> -> memref<128xi32, #tpu.memory_space<vmem>>
    %dma_start3A_62 = arith.constant 0 : i32
    %dma_start3A_63 = arith.constant 0 : i32
    %dma_start3A_64 = tpu.memref_slice %arg3[%dma_start3A_62, %dma_start3A_63] : memref<10000x128xf32, #tpu.memory_space<hbm>> -> memref<10000x128xf32, #tpu.memory_space<hbm>>
    tpu.enqueue_indirect_dma source(%dma_start3A_64 : memref<10000x128xf32, #tpu.memory_space<hbm>>) target(%arg10 : memref<128x128xf32, #tpu.memory_space<vmem>>) offsets(%dma_start3A_61 : memref<128xi32, #tpu.memory_space<vmem>>) semaphore(%arg15 : memref<!tpu.dma_semaphore, #tpu.memory_space<semaphore_mem>>)
    %dma_wait3A_65 = arith.constant 0 : i32
    %dma_wait3A_66 = arith.constant 0 : i32
    %dma_wait3A_67 = tpu.memref_slice %arg7[%dma_wait3A_65, %dma_wait3A_66] : memref<2x128xi32, #tpu.memory_space<vmem>> -> memref<1x128xi32, #tpu.memory_space<vmem>>
    %dma_wait3A_68 = tpu.memref_squeeze %dma_wait3A_67 : memref<1x128xi32, #tpu.memory_space<vmem>> -> memref<128xi32, #tpu.memory_space<vmem>>
    %dma_wait3A_69 = arith.constant 0 : i32
    %dma_wait3A_70 = arith.constant 0 : i32
    %dma_wait3A_71 = tpu.memref_slice %arg3[%dma_wait3A_69, %dma_wait3A_70] : memref<10000x128xf32, #tpu.memory_space<hbm>> -> memref<10000x128xf32, #tpu.memory_space<hbm>>
    tpu.wait_indirect_dma semaphore(%arg14 : memref<!tpu.dma_semaphore, #tpu.memory_space<semaphore_mem>>) src(%dma_wait3A_71 : memref<10000x128xf32, #tpu.memory_space<hbm>>) dst(%arg9 : memref<128x128xf32, #tpu.memory_space<vmem>>)
    %run_scoped3A = arith.constant 1 : i32
    "tpu.region"() ({
      %run_scoped3A_81 = tpu.sem_alloc : memref<!tpu.dma_semaphore, #tpu.memory_space<semaphore_mem>>
      %dma_start3A_82 = arith.constant 0 : i32
      %dma_start3A_83 = tpu.memref_slice %arg7[%run_scoped3A, %dma_start3A_82] : memref<2x128xi32, #tpu.memory_space<vmem>> -> memref<1x128xi32, #tpu.memory_space<vmem>>
      %dma_start3A_84 = tpu.memref_squeeze %dma_start3A_83 : memref<1x128xi32, #tpu.memory_space<vmem>> -> memref<128xi32, #tpu.memory_space<vmem>>
      %dma_start3A_85 = arith.constant 0 : i32
      %dma_start3A_86 = arith.constant 0 : i32
      %dma_start3A_87 = tpu.memref_slice %arg6[%dma_start3A_85, %dma_start3A_86] : memref<10240x128xf32, #tpu.memory_space<vmem_shared>> -> memref<10240x128xf32, #tpu.memory_space<vmem_shared>>
      tpu.enqueue_indirect_dma source(%arg9 : memref<128x128xf32, #tpu.memory_space<vmem>>) target(%dma_start3A_87 : memref<10240x128xf32, #tpu.memory_space<vmem_shared>>) offsets(%dma_start3A_84 : memref<128xi32, #tpu.memory_space<vmem>>) semaphore(%run_scoped3A_81 : memref<!tpu.dma_semaphore, #tpu.memory_space<semaphore_mem>>) {add = true}
      %dma_wait3A_88 = arith.constant 0 : i32
      %dma_wait3A_89 = tpu.memref_slice %arg7[%run_scoped3A, %dma_wait3A_88] : memref<2x128xi32, #tpu.memory_space<vmem>> -> memref<1x128xi32, #tpu.memory_space<vmem>>
      %dma_wait3A_90 = tpu.memref_squeeze %dma_wait3A_89 : memref<1x128xi32, #tpu.memory_space<vmem>> -> memref<128xi32, #tpu.memory_space<vmem>>
      %dma_wait3A_91 = arith.constant 0 : i32
      %dma_wait3A_92 = arith.constant 0 : i32
      %dma_wait3A_93 = tpu.memref_slice %arg6[%dma_wait3A_91, %dma_wait3A_92] : memref<10240x128xf32, #tpu.memory_space<vmem_shared>> -> memref<10240x128xf32, #tpu.memory_space<vmem_shared>>
      tpu.wait_indirect_dma semaphore(%run_scoped3A_81 : memref<!tpu.dma_semaphore, #tpu.memory_space<semaphore_mem>>) src(%arg9 : memref<128x128xf32, #tpu.memory_space<vmem>>) dst(%dma_wait3A_93 : memref<10240x128xf32, #tpu.memory_space<vmem_shared>>)
      tpu.yield
    }) : () -> ()
    %dma_wait3A_72 = arith.constant 0 : i32
    %dma_wait3A_73 = arith.constant 0 : i32
    %dma_wait3A_74 = tpu.memref_slice %arg8[%dma_wait3A_72, %dma_wait3A_73] : memref<2x128xi32, #tpu.memory_space<vmem>> -> memref<1x128xi32, #tpu.memory_space<vmem>>
    %dma_wait3A_75 = tpu.memref_squeeze %dma_wait3A_74 : memref<1x128xi32, #tpu.memory_space<vmem>> -> memref<128xi32, #tpu.memory_space<vmem>>
    %dma_wait3A_76 = arith.constant 0 : i32
    %dma_wait3A_77 = arith.constant 0 : i32
    %dma_wait3A_78 = tpu.memref_slice %arg3[%dma_wait3A_76, %dma_wait3A_77] : memref<10000x128xf32, #tpu.memory_space<hbm>> -> memref<10000x128xf32, #tpu.memory_space<hbm>>
    tpu.wait_indirect_dma semaphore(%arg15 : memref<!tpu.dma_semaphore, #tpu.memory_space<semaphore_mem>>) src(%dma_wait3A_78 : memref<10000x128xf32, #tpu.memory_space<hbm>>) dst(%arg10 : memref<128x128xf32, #tpu.memory_space<vmem>>)
    %run_scoped3A_79 = arith.constant 1 : i32
    "tpu.region"() ({
      %run_scoped3A_81 = tpu.sem_alloc : memref<!tpu.dma_semaphore, #tpu.memory_space<semaphore_mem>>
      %dma_start3A_82 = arith.constant 0 : i32
      %dma_start3A_83 = tpu.memref_slice %arg8[%run_scoped3A_79, %dma_start3A_82] : memref<2x128xi32, #tpu.memory_space<vmem>> -> memref<1x128xi32, #tpu.memory_space<vmem>>
      %dma_start3A_84 = tpu.memref_squeeze %dma_start3A_83 : memref<1x128xi32, #tpu.memory_space<vmem>> -> memref<128xi32, #tpu.memory_space<vmem>>
      %dma_start3A_85 = arith.constant 0 : i32
      %dma_start3A_86 = arith.constant 0 : i32
      %dma_start3A_87 = tpu.memref_slice %arg6[%dma_start3A_85, %dma_start3A_86] : memref<10240x128xf32, #tpu.memory_space<vmem_shared>> -> memref<10240x128xf32, #tpu.memory_space<vmem_shared>>
      tpu.enqueue_indirect_dma source(%arg10 : memref<128x128xf32, #tpu.memory_space<vmem>>) target(%dma_start3A_87 : memref<10240x128xf32, #tpu.memory_space<vmem_shared>>) offsets(%dma_start3A_84 : memref<128xi32, #tpu.memory_space<vmem>>) semaphore(%run_scoped3A_81 : memref<!tpu.dma_semaphore, #tpu.memory_space<semaphore_mem>>) {add = true}
      %dma_wait3A_88 = arith.constant 0 : i32
      %dma_wait3A_89 = tpu.memref_slice %arg8[%run_scoped3A_79, %dma_wait3A_88] : memref<2x128xi32, #tpu.memory_space<vmem>> -> memref<1x128xi32, #tpu.memory_space<vmem>>
      %dma_wait3A_90 = tpu.memref_squeeze %dma_wait3A_89 : memref<1x128xi32, #tpu.memory_space<vmem>> -> memref<128xi32, #tpu.memory_space<vmem>>
      %dma_wait3A_91 = arith.constant 0 : i32
      %dma_wait3A_92 = arith.constant 0 : i32
      %dma_wait3A_93 = tpu.memref_slice %arg6[%dma_wait3A_91, %dma_wait3A_92] : memref<10240x128xf32, #tpu.memory_space<vmem_shared>> -> memref<10240x128xf32, #tpu.memory_space<vmem_shared>>
      tpu.wait_indirect_dma semaphore(%run_scoped3A_81 : memref<!tpu.dma_semaphore, #tpu.memory_space<semaphore_mem>>) src(%arg10 : memref<128x128xf32, #tpu.memory_space<vmem>>) dst(%dma_wait3A_93 : memref<10240x128xf32, #tpu.memory_space<vmem_shared>>)
      tpu.yield
    }) : () -> ()
    %barrier3A_80 = arith.constant 0 : index
    tpu.barrier barrier_id(%barrier3A_80)
    "tpu.region"() ({
      %run_scoped3A_81 = tpu.sem_alloc : memref<!tpu.dma_semaphore, #tpu.memory_space<semaphore_mem>>
      %dma_start3A_82 = arith.constant 0 : i32
      %dma_start3A_83 = arith.constant 0 : i32
      %dma_start3A_84 = tpu.memref_slice %arg5[%arg0, %dma_start3A_82, %dma_start3A_83] : memref<2x10240x128xf32, #tpu.memory_space<hbm>> -> memref<1x10240x128xf32, #tpu.memory_space<hbm>>
      %dma_start3A_85 = tpu.memref_squeeze %dma_start3A_84 : memref<1x10240x128xf32, #tpu.memory_space<hbm>> -> memref<10240x128xf32, #tpu.memory_space<hbm>>
      %dma_start3A_86 = arith.constant 0 : i32
      %dma_start3A_87 = tpu.memref_slice %dma_start3A_85[%mul3A_41, %dma_start3A_86] : memref<10240x128xf32, #tpu.memory_space<hbm>> -> memref<640x128xf32, #tpu.memory_space<hbm>>
      %dma_start3A_88 = arith.constant 0 : i32
      %dma_start3A_89 = tpu.memref_slice %arg6[%mul3A_41, %dma_start3A_88] : memref<10240x128xf32, #tpu.memory_space<vmem_shared>> -> memref<640x128xf32, #tpu.memory_space<vmem_shared>>
      tpu.enqueue_dma source(%dma_start3A_89 : memref<640x128xf32, #tpu.memory_space<vmem_shared>>) target(%dma_start3A_87 : memref<640x128xf32, #tpu.memory_space<hbm>>) target_semaphore(%run_scoped3A_81 : memref<!tpu.dma_semaphore, #tpu.memory_space<semaphore_mem>>)
      %dma_wait3A_90 = arith.constant 0 : i32
      %dma_wait3A_91 = arith.constant 0 : i32
      %dma_wait3A_92 = tpu.memref_slice %arg5[%arg0, %dma_wait3A_90, %dma_wait3A_91] : memref<2x10240x128xf32, #tpu.memory_space<hbm>> -> memref<1x10240x128xf32, #tpu.memory_space<hbm>>
      %dma_wait3A_93 = tpu.memref_squeeze %dma_wait3A_92 : memref<1x10240x128xf32, #tpu.memory_space<hbm>> -> memref<10240x128xf32, #tpu.memory_space<hbm>>
      %dma_wait3A_94 = arith.constant 0 : i32
      %dma_wait3A_95 = tpu.memref_slice %dma_wait3A_93[%mul3A_41, %dma_wait3A_94] : memref<10240x128xf32, #tpu.memory_space<hbm>> -> memref<640x128xf32, #tpu.memory_space<hbm>>
      %dma_wait3A_96 = arith.constant 0 : i32
      %dma_wait3A_97 = tpu.memref_slice %arg6[%mul3A_41, %dma_wait3A_96] : memref<10240x128xf32, #tpu.memory_space<vmem_shared>> -> memref<640x128xf32, #tpu.memory_space<vmem_shared>>
      tpu.wait_dma2 semaphore(%run_scoped3A_81 : memref<!tpu.dma_semaphore, #tpu.memory_space<semaphore_mem>>) src(%dma_wait3A_97 : memref<640x128xf32, #tpu.memory_space<vmem_shared>>) dst(%dma_wait3A_95 : memref<640x128xf32, #tpu.memory_space<hbm>>)
      tpu.yield
    }) : () -> ()
    return
  }
}

module attributes {stable_mosaic.version = 14 : i64} {
  func.func @_tc2_body(%arg0: i32, %arg1: memref<2x5000x128xf32, #tpu.memory_space<vmem>>, %arg2: memref<5000x128xf32, #tpu.memory_space<vmem>>, %arg3: memref<128x128xf32, #tpu.memory_space<vmem>>, %arg4: memref<128x128xf32, #tpu.memory_space<vmem>>, %arg5: memref<1x128xf32, #tpu.memory_space<vmem>>, %arg6: memref<5000x128xf32, #tpu.memory_space<vmem>>) attributes {dimension_semantics = [#tpu.dimension_semantics<arbitrary>], iteration_bounds = array<i64: 2>, scalar_prefetch = 0 : i64, scratch_operands = 0 : i64, tpu.core_type = #tpu.core_type<tc>, window_params = [{transform_indices = @transform_0, window_bounds = array<i64: 2, 5000, 128>}, {transform_indices = @transform_1, window_bounds = array<i64: 5000, 128>}, {pipeline_mode = #tpu.pipeline_mode<synchronous>, transform_indices = @transform_2, window_bounds = array<i64: 128, 128>}, {pipeline_mode = #tpu.pipeline_mode<synchronous>, transform_indices = @transform_3, window_bounds = array<i64: 128, 128>}, {pipeline_mode = #tpu.pipeline_mode<synchronous>, transform_indices = @transform_4, window_bounds = array<i64: 1, 128>}, {transform_indices = @transform_5, window_bounds = array<i64: 5000, 128>}]} {
    %get3A = arith.constant 0 : index
    %get3A_0 = arith.constant 0 : index
    %get3A_1 = arith.constant 0 : index
    %get3A_2 = vector.load %arg1[%get3A, %get3A_0, %get3A_1] : memref<2x5000x128xf32, #tpu.memory_space<vmem>>, vector<1x5000x128xf32>
    %get3A_3 = vector.shape_cast %get3A_2 : vector<1x5000x128xf32> to vector<5000x128xf32>
    %get3A_4 = arith.constant 1 : index
    %get3A_5 = arith.constant 0 : index
    %get3A_6 = arith.constant 0 : index
    %get3A_7 = vector.load %arg1[%get3A_4, %get3A_5, %get3A_6] : memref<2x5000x128xf32, #tpu.memory_space<vmem>>, vector<1x5000x128xf32>
    %get3A_8 = vector.shape_cast %get3A_7 : vector<1x5000x128xf32> to vector<5000x128xf32>
    %add3A = arith.addf %get3A_3, %get3A_8 : vector<5000x128xf32>
    %get3A_9 = arith.constant 0 : index
    %get3A_10 = arith.constant 0 : index
    %get3A_11 = vector.load %arg3[%get3A_9, %get3A_10] : memref<128x128xf32, #tpu.memory_space<vmem>>, vector<128x128xf32>
    %dot_general3A = arith.constant dense<0.000000e+00> : vector<5000x128xf32>
    %dot_general3A_12 = tpu.matmul %add3A, %get3A_11, %dot_general3A {dimension_numbers = #tpu.dot_dimension_numbers<[1], [0], [0], [1], [0, 0, 1, 1], [], []>, transpose_lhs_hint = false} : vector<5000x128xf32>, vector<128x128xf32>, vector<5000x128xf32> -> vector<5000x128xf32>
    %get3A_13 = arith.constant 0 : index
    %get3A_14 = arith.constant 0 : index
    %get3A_15 = vector.load %arg2[%get3A_13, %get3A_14] : memref<5000x128xf32, #tpu.memory_space<vmem>>, vector<5000x128xf32>
    %get3A_16 = arith.constant 0 : index
    %get3A_17 = arith.constant 0 : index
    %get3A_18 = vector.load %arg4[%get3A_16, %get3A_17] : memref<128x128xf32, #tpu.memory_space<vmem>>, vector<128x128xf32>
    %dot_general3A_19 = arith.constant dense<0.000000e+00> : vector<5000x128xf32>
    %dot_general3A_20 = tpu.matmul %get3A_15, %get3A_18, %dot_general3A_19 {dimension_numbers = #tpu.dot_dimension_numbers<[1], [0], [0], [1], [0, 0, 1, 1], [], []>, transpose_lhs_hint = false} : vector<5000x128xf32>, vector<128x128xf32>, vector<5000x128xf32> -> vector<5000x128xf32>
    %add3A_21 = arith.addf %dot_general3A_12, %dot_general3A_20 : vector<5000x128xf32>
    %get3A_22 = arith.constant 0 : index
    %get3A_23 = arith.constant 0 : index
    %get3A_24 = vector.load %arg5[%get3A_22, %get3A_23] : memref<1x128xf32, #tpu.memory_space<vmem>>, vector<1x128xf32>
    %add3A_25 = vector.broadcast %get3A_24 : vector<1x128xf32> to vector<5000x128xf32>
    %add3A_26 = arith.addf %add3A_21, %add3A_25 : vector<5000x128xf32>
    %reduce_max3A = arith.constant dense<0xFF800000> : vector<5000xf32>
    %reduce_max3A_27 = vector.multi_reduction <maximumf>, %add3A_26, %reduce_max3A [1] : vector<5000x128xf32> to vector<5000xf32>
    %broadcast_in_dim3A = vector.shape_cast %reduce_max3A_27 : vector<5000xf32> to vector<5000x1xf32>
    %sub3A = vector.broadcast %broadcast_in_dim3A : vector<5000x1xf32> to vector<5000x128xf32>
    %sub3A_28 = arith.subf %add3A_26, %sub3A : vector<5000x128xf32>
    %exp3A = math.exp %sub3A_28 : vector<5000x128xf32>
    %reduce_sum3A = arith.constant dense<0.000000e+00> : vector<5000xf32>
    %reduce_sum3A_29 = vector.multi_reduction <add>, %exp3A, %reduce_sum3A [1] : vector<5000x128xf32> to vector<5000xf32>
    %broadcast_in_dim3A_30 = vector.shape_cast %reduce_sum3A_29 : vector<5000xf32> to vector<5000x1xf32>
    %log3A = math.log %broadcast_in_dim3A_30 : vector<5000x1xf32>
    %sub3A_31 = vector.broadcast %log3A : vector<5000x1xf32> to vector<5000x128xf32>
    %sub3A_32 = arith.subf %sub3A_28, %sub3A_31 : vector<5000x128xf32>
    %swap3A = arith.constant 0 : index
    %swap3A_33 = arith.constant 0 : index
    %swap3A_34 = vector.load %arg6[%swap3A, %swap3A_33] : memref<5000x128xf32, #tpu.memory_space<vmem>>, vector<5000x128xf32>
    tpu.vector_store %arg6[%swap3A, %swap3A_33], %sub3A_32 {strides = array<i32>} : memref<5000x128xf32, #tpu.memory_space<vmem>>, vector<5000x128xf32>,
    return
  }
  func.func @transform_0(%arg0: i32) -> (i32, i32, i32) {
    %c0_i32 = arith.constant 0 : i32
    %c0_i32_0 = arith.constant 0 : i32
    %c0_i32_1 = arith.constant 0 : i32
    return %c0_i32, %arg0, %c0_i32_0 : i32, i32, i32
  }
  func.func @transform_1(%arg0: i32) -> (i32, i32) {
    %c0_i32 = arith.constant 0 : i32
    %c0_i32_0 = arith.constant 0 : i32
    return %arg0, %c0_i32 : i32, i32
  }
  func.func @transform_2(%arg0: i32) -> (i32, i32) {
    %c0_i32 = arith.constant 0 : i32
    %c0_i32_0 = arith.constant 0 : i32
    %c0_i32_1 = arith.constant 0 : i32
    return %c0_i32, %c0_i32_0 : i32, i32
  }
  func.func @transform_3(%arg0: i32) -> (i32, i32) {
    %c0_i32 = arith.constant 0 : i32
    %c0_i32_0 = arith.constant 0 : i32
    %c0_i32_1 = arith.constant 0 : i32
    return %c0_i32, %c0_i32_0 : i32, i32
  }
  func.func @transform_4(%arg0: i32) -> (i32, i32) {
    %c0_i32 = arith.constant 0 : i32
    %c0_i32_0 = arith.constant 0 : i32
    %c0_i32_1 = arith.constant 0 : i32
    return %c0_i32, %c0_i32_0 : i32, i32
  }
  func.func @transform_5(%arg0: i32) -> (i32, i32) {
    %c0_i32 = arith.constant 0 : i32
    %c0_i32_0 = arith.constant 0 : i32
    return %arg0, %c0_i32 : i32, i32
  }
}

module attributes {stable_mosaic.version = 14 : i64} {
  func.func @_tc1_body(%arg0: i32, %arg1: memref<2x5000x128xf32, #tpu.memory_space<vmem>>, %arg2: memref<5000x128xf32, #tpu.memory_space<vmem>>, %arg3: memref<128x128xf32, #tpu.memory_space<vmem>>, %arg4: memref<128x128xf32, #tpu.memory_space<vmem>>, %arg5: memref<1x128xf32, #tpu.memory_space<vmem>>, %arg6: memref<5000x128xf32, #tpu.memory_space<vmem>>) attributes {dimension_semantics = [#tpu.dimension_semantics<arbitrary>], iteration_bounds = array<i64: 2>, scalar_prefetch = 0 : i64, scratch_operands = 0 : i64, tpu.core_type = #tpu.core_type<tc>, window_params = [{transform_indices = @transform_0, window_bounds = array<i64: 2, 5000, 128>}, {transform_indices = @transform_1, window_bounds = array<i64: 5000, 128>}, {pipeline_mode = #tpu.pipeline_mode<synchronous>, transform_indices = @transform_2, window_bounds = array<i64: 128, 128>}, {pipeline_mode = #tpu.pipeline_mode<synchronous>, transform_indices = @transform_3, window_bounds = array<i64: 128, 128>}, {pipeline_mode = #tpu.pipeline_mode<synchronous>, transform_indices = @transform_4, window_bounds = array<i64: 1, 128>}, {transform_indices = @transform_5, window_bounds = array<i64: 5000, 128>}]} {
    %get3A = arith.constant 0 : index
    %get3A_0 = arith.constant 0 : index
    %get3A_1 = arith.constant 0 : index
    %get3A_2 = vector.load %arg1[%get3A, %get3A_0, %get3A_1] : memref<2x5000x128xf32, #tpu.memory_space<vmem>>, vector<1x5000x128xf32>
    %get3A_3 = vector.shape_cast %get3A_2 : vector<1x5000x128xf32> to vector<5000x128xf32>
    %get3A_4 = arith.constant 1 : index
    %get3A_5 = arith.constant 0 : index
    %get3A_6 = arith.constant 0 : index
    %get3A_7 = vector.load %arg1[%get3A_4, %get3A_5, %get3A_6] : memref<2x5000x128xf32, #tpu.memory_space<vmem>>, vector<1x5000x128xf32>
    %get3A_8 = vector.shape_cast %get3A_7 : vector<1x5000x128xf32> to vector<5000x128xf32>
    %add3A = arith.addf %get3A_3, %get3A_8 : vector<5000x128xf32>
    %get3A_9 = arith.constant 0 : index
    %get3A_10 = arith.constant 0 : index
    %get3A_11 = vector.load %arg3[%get3A_9, %get3A_10] : memref<128x128xf32, #tpu.memory_space<vmem>>, vector<128x128xf32>
    %dot_general3A = arith.constant dense<0.000000e+00> : vector<5000x128xf32>
    %dot_general3A_12 = tpu.matmul %add3A, %get3A_11, %dot_general3A {dimension_numbers = #tpu.dot_dimension_numbers<[1], [0], [0], [1], [0, 0, 1, 1], [], []>, transpose_lhs_hint = false} : vector<5000x128xf32>, vector<128x128xf32>, vector<5000x128xf32> -> vector<5000x128xf32>
    %get3A_13 = arith.constant 0 : index
    %get3A_14 = arith.constant 0 : index
    %get3A_15 = vector.load %arg2[%get3A_13, %get3A_14] : memref<5000x128xf32, #tpu.memory_space<vmem>>, vector<5000x128xf32>
    %get3A_16 = arith.constant 0 : index
    %get3A_17 = arith.constant 0 : index
    %get3A_18 = vector.load %arg4[%get3A_16, %get3A_17] : memref<128x128xf32, #tpu.memory_space<vmem>>, vector<128x128xf32>
    %dot_general3A_19 = arith.constant dense<0.000000e+00> : vector<5000x128xf32>
    %dot_general3A_20 = tpu.matmul %get3A_15, %get3A_18, %dot_general3A_19 {dimension_numbers = #tpu.dot_dimension_numbers<[1], [0], [0], [1], [0, 0, 1, 1], [], []>, transpose_lhs_hint = false} : vector<5000x128xf32>, vector<128x128xf32>, vector<5000x128xf32> -> vector<5000x128xf32>
    %add3A_21 = arith.addf %dot_general3A_12, %dot_general3A_20 : vector<5000x128xf32>
    %get3A_22 = arith.constant 0 : index
    %get3A_23 = arith.constant 0 : index
    %get3A_24 = vector.load %arg5[%get3A_22, %get3A_23] : memref<1x128xf32, #tpu.memory_space<vmem>>, vector<1x128xf32>
    %add3A_25 = vector.broadcast %get3A_24 : vector<1x128xf32> to vector<5000x128xf32>
    %add3A_26 = arith.addf %add3A_21, %add3A_25 : vector<5000x128xf32>
    %max3A = arith.constant 0.000000e+00 : f32
    %max3A_27 = vector.broadcast %max3A : f32 to vector<5000x128xf32>
    %max3A_28 = arith.maximumf %add3A_26, %max3A_27 : vector<5000x128xf32>
    %swap3A = arith.constant 0 : index
    %swap3A_29 = arith.constant 0 : index
    %swap3A_30 = vector.load %arg6[%swap3A, %swap3A_29] : memref<5000x128xf32, #tpu.memory_space<vmem>>, vector<5000x128xf32>
    tpu.vector_store %arg6[%swap3A, %swap3A_29], %max3A_28 {strides = array<i32>} : memref<5000x128xf32, #tpu.memory_space<vmem>>, vector<5000x128xf32>,
    return
  }
  func.func @transform_0(%arg0: i32) -> (i32, i32, i32) {
    %c0_i32 = arith.constant 0 : i32
    %c0_i32_0 = arith.constant 0 : i32
    %c0_i32_1 = arith.constant 0 : i32
    return %c0_i32, %arg0, %c0_i32_0 : i32, i32, i32
  }
  func.func @transform_1(%arg0: i32) -> (i32, i32) {
    %c0_i32 = arith.constant 0 : i32
    %c0_i32_0 = arith.constant 0 : i32
    return %arg0, %c0_i32 : i32, i32
  }
  func.func @transform_2(%arg0: i32) -> (i32, i32) {
    %c0_i32 = arith.constant 0 : i32
    %c0_i32_0 = arith.constant 0 : i32
    %c0_i32_1 = arith.constant 0 : i32
    return %c0_i32, %c0_i32_0 : i32, i32
  }
  func.func @transform_3(%arg0: i32) -> (i32, i32) {
    %c0_i32 = arith.constant 0 : i32
    %c0_i32_0 = arith.constant 0 : i32
    %c0_i32_1 = arith.constant 0 : i32
    return %c0_i32, %c0_i32_0 : i32, i32
  }
  func.func @transform_4(%arg0: i32) -> (i32, i32) {
    %c0_i32 = arith.constant 0 : i32
    %c0_i32_0 = arith.constant 0 : i32
    %c0_i32_1 = arith.constant 0 : i32
    return %c0_i32, %c0_i32_0 : i32, i32
  }
  func.func @transform_5(%arg0: i32) -> (i32, i32) {
    %c0_i32 = arith.constant 0 : i32
    %c0_i32_0 = arith.constant 0 : i32
    return %arg0, %c0_i32 : i32, i32
  }
}

</mosaic_0001>

<sc_bundles>
// kernel: kernel.6.cloned.1.call-start
scs
__scs_entry_jumppad:
0x0: {  	(pc) =	sbr.rel $0x88, $3  }
0x1: {  	(tag) =	ssettag $0x0;
	lr =	simm.s32 $0x1  }
0x2: {  	[smem:$0x3F99] =	sst lr;
	_ =	strace $0xD0000000  }
0x3: {  	_ = 	snop  }
0x4: {  	_ = 	snop  }
0x5: {  	_ = 	snop  }
0x6: {  	_ = 	snop  }
0x7: {  	_ = 	snop  }
__scs_overlays_trampoline_lowered:
0x8: {  	[smem:$0x3FA8] =	sst s0  }
0x9: {  	[smem:$0x3FA9] =	sst s1  }
0xa: {  	[smem:$0x3FAA] =	sst s2  }
0xb: {  	[smem:$0x3FAB] =	sst s3  }
0xc: {  	[smem:$0x3FAC] =	sst s4  }
0xd: {  	[smem:$0x3FAD] =	sst s5  }
0xe: {  	[smem:$0x3FAE] =	sst s6  }
0xf: {  	[smem:$0x3FAF] =	sst s7  }
0x10: {  	[smem:$0x3FB0] =	sst s8  }
0x11: {  	[smem:$0x3FB1] =	sst s9;
	s0 =	simm.s32 @!p0 $0x0  }
0x12: {  	s1 =	sld [smem:$0x3F97];
	s0 =	simm.s32 @p0 $0x1  }
0x13: {  	[smem:$0x3FB2] =	sst s0;
	s0 =	simm.s32 @!p1 $0x0  }
0x14: {  	s2 =	sld [smem:$0x3F96];
	s0 =	simm.s32 @p1 $0x1  }
0x15: {  	[smem:$0x3FB3] =	sst s0;
	s0 =	simm.s32 @!p2 $0x0  }
0x16: {  	s3 =	sld [smem:$0x3FDB];
	s0 =	simm.s32 @p2 $0x1  }
0x17: {  	s4 =	simm.s32 $0x1BF5;
	[smem:$0x3FB5] =	sst s0  }
0x18: {  	s0 =	sld [smem:$0x3F98];
	_ =	swait.ge [sflag:s4], $0x0  }
0x19: {  	s7 =	sld [smem:$0x3F99]  }
0x1a: {  	s8 =	sadd.s32 $0xFFFFE003, lr  }
0x1b: {  	s9 =	sadd.s32 $0xFFFFFEF7, lr;
	s5 =	simm.s32 $0xFFFFFFFF;
	p2 =	slt.u32 s8, $0xFFFFF086  }
0x1c: {  	p1 =	slt.u32 s9, $0xF7A;
	s5 =	simm.s32 @!p2 $0x0  }
0x1d: {  	s5 =	simm.s32 @p1 $0x1;
	p0 =	seq.s32 s7, s2  }
0x1e: {  	s7 =	smul.u32 @!p0 $0xF7A, s2;
	p2 =	seq.s32 @!p0 s5, $0x0  }
0x1f: {  	s9 =	smul.u32 $0xF7A, s1;
	s8 =	simm.s32 @!p0 $0x1BF5;
	p2 =	por !p2, p0  }
0x20: {  	[sflag:s8] =	ssyncset.s32 @!p0 $0xFFFFF086;
	s6 =	sadd.s32 @!p0 s3, s7;
	s7 =	simm.s32 @!p0 $0x108  }
0x21: {  	s3 =	sadd.s32 s3, s9;
	s6 =	sadd.s32 @!p0 $0x88, s6;
	s7 =	simm.s32 @p2 $0x1082  }
0x22: {  	[simem:s7], [sflag:s8] =	dma.local @!p0 [hbm:s6], $0xF7A  }
0x23: {  	s9 =	sor.u32 $0xD0000000, s2;
	s6 =	simm.s32 $0x108;
	_ =	swait.ge @!p0 [sflag:s8], $0x0  }
0x24: {  	s3 =	sadd.s32 $0x88, s3;
	s6 =	simm.s32 @!p1 $0x1082;
	[sflag:s4] =	ssyncset.s32 $0xFFFFF086  }
0x25: {  	[simem:s6], [sflag:s4] =	dma.local [hbm:s3], $0xF7A  }
0x26: {  	[smem:$0x3F99] =	sst s1;
	(tag) =	ssettag s2;
	_ =	strace s9  }
0x27: {  	s1 =	sld [smem:$0x3FA9]  }
0x28: {  	s2 =	sld [smem:$0x3FAA]  }
0x29: {  	s4 =	sld [smem:$0x3FAC]  }
0x2a: {  	p0 =	seq.s32 s5, $0x0;
	s5 =	sld [smem:$0x3FAD]  }
0x2b: {  	s6 =	sld [smem:$0x3FAE]  }
0x2c: {  	s7 =	sld [smem:$0x3FAF]  }
0x2d: {  	s3 =	simm.s32 $0x108;
	s8 =	sld [smem:$0x3FB0]  }
0x2e: {  	s3 =	simm.s32 @!p0 $0x1082;
	s9 =	sld [smem:$0x3FB1]  }
0x2f: {  	lr =	sadd.s32 s0, s3;
	s0 =	sld [smem:$0x3FA8]  }
0x30: {  	s3 =	sld [smem:$0x3FAB]  }
0x31: {  	[smem:$0x3FB4] =	sst s10  }
0x32: {  	s10 =	sld [smem:$0x3FB2];
	_ =	sdelay $0x3  }
0x33: {  	p0 =	seq.s32 s10, $0x1;
	s10 =	sld [smem:$0x3FB4];
	_ =	sdelay $0x3  }
0x34: {  	[smem:$0x3FB4] =	sst s10  }
0x35: {  	s10 =	sld [smem:$0x3FB3];
	_ =	sdelay $0x3  }
0x36: {  	p1 =	seq.s32 s10, $0x1;
	s10 =	sld [smem:$0x3FB4];
	_ =	sdelay $0x3  }
0x37: {  	[smem:$0x3FB4] =	sst s10  }
0x38: {  	s10 =	sld [smem:$0x3FB5]  }
0x39: {  	_ = 	snop;
	(pc) =	sbr.ind lr, $3  }
0x3a: {  	_ = 	snop  }
0x3b: {  	_ = 	snop  }
0x3c: {  	p2 =	seq.s32 s10, $0x1;
	s10 =	sld [smem:$0x3FB4]  }
0x3d: {  	_ =	shalt  }
0x3e: {  	_ =	shalt  }
0x3f: {  	_ =	shalt  }
0x40: {  	_ =	shalt  }
0x41: {  	_ =	shalt  }
0x42: {  	_ =	shalt  }
0x43: {  	_ =	shalt  }
0x44: {  	_ =	shalt  }
0x45: {  	_ =	shalt  }
0x46: {  	_ =	shalt  }
0x47: {  	_ =	shalt  }
0x48: {  	_ =	shalt  }
0x49: {  	_ =	shalt  }
0x4a: {  	_ =	shalt  }
0x4b: {  	_ =	shalt  }
0x4c: {  	_ =	shalt  }
0x4d: {  	_ =	shalt  }
0x4e: {  	_ =	shalt  }
0x4f: {  	_ =	shalt  }
0x50: {  	_ =	shalt  }
0x51: {  	_ =	shalt  }
0x52: {  	_ =	shalt  }
0x53: {  	_ =	shalt  }
0x54: {  	_ =	shalt  }
0x55: {  	_ =	shalt  }
0x56: {  	_ =	shalt  }
0x57: {  	_ =	shalt  }
0x58: {  	_ =	shalt  }
0x59: {  	_ =	shalt  }
0x5a: {  	_ =	shalt  }
0x5b: {  	_ =	shalt  }
0x5c: {  	_ =	shalt  }
0x5d: {  	_ =	shalt  }
0x5e: {  	_ =	shalt  }
0x5f: {  	_ =	shalt  }
0x60: {  	_ =	shalt  }
0x61: {  	_ =	shalt  }
0x62: {  	_ =	shalt  }
0x63: {  	_ =	shalt  }
0x64: {  	_ =	shalt  }
0x65: {  	_ =	shalt  }
0x66: {  	_ =	shalt  }
0x67: {  	_ =	shalt  }
0x68: {  	_ =	shalt  }
0x69: {  	_ =	shalt  }
0x6a: {  	_ =	shalt  }
0x6b: {  	_ =	shalt  }
0x6c: {  	_ =	shalt  }
0x6d: {  	_ =	shalt  }
0x6e: {  	_ =	shalt  }
0x6f: {  	_ =	shalt  }
0x70: {  	_ =	shalt  }
0x71: {  	_ =	shalt  }
0x72: {  	_ =	shalt  }
0x73: {  	_ =	shalt  }
0x74: {  	_ =	shalt  }
0x75: {  	_ =	shalt  }
0x76: {  	_ =	shalt  }
0x77: {  	_ =	shalt  }
0x78: {  	_ =	shalt  }
0x79: {  	_ =	shalt  }
0x7a: {  	_ =	shalt  }
0x7b: {  	_ =	shalt  }
0x7c: {  	_ =	shalt  }
0x7d: {  	_ =	shalt  }
0x7e: {  	_ =	shalt  }
0x7f: {  	_ =	shalt  }
0x80: {  	_ =	shalt  }
0x81: {  	_ =	shalt  }
0x82: {  	_ =	shalt  }
0x83: {  	_ =	shalt  }
0x84: {  	_ =	shalt  }
0x85: {  	_ =	shalt  }
0x86: {  	_ =	shalt  }
0x87: {  	_ =	shalt  }
.Lfunc_end0:
.L_simem_size_0:
called_computation_lowered:
.L_overlay_start_0:
0x88: {  	s2 =	sld [smem:$0x3FD9]  }
0x89: {  	s3 =	sld [smem:$0x3FFE];
	_ =	sdelay $0x1  }
0x8a: {  	s1 =	srdreg.scid  }
0x8b: {  	s0 =	sand.u32 $0x1, s1  }
0x8c: {  	s17 =	sshll.u32 s0, $0xA;
	s2 =	sadd.s32 s3, s2  }
0x8d: {  	s2 =	sadd.s32 s2, s17  }
0x8e: {  	[smem:$0x3FC0] =	sst s2  }
0x8f: {  	_ = 	snop  }
0x90: {  	s2 =	sld [smem:$0x3FC9]  }
0x91: {  	s18 =	sld [smem:$0x3FC8];
	(tm) =	ssettm $0x1  }
0x92: {  	s4 =	sld [smem:$0x3FFB];
	_ =	sdelay $0x3  }
0x93: {  	_ =	strace s4  }
0x94: {  	s4 =	sld [smem:$0x3FFC];
	_ =	sdelay $0x3  }
0x95: {  	_ =	strace s4  }
0x96: {  	s4 =	sld [smem:$0x3FFD];
	_ =	sdelay $0x3  }
0x97: {  	_ =	strace s4  }
0x98: {  	_ =	strace $0x8FFFFFFF  }
0x99: {  	s19 =	sld [smem:$0x3FDB];
	_ =	sdelay $0x1  }
0x9a: {  	s5 =	simm.s32 $_scs_section_size  }
0x9b: {  	s6 =	simm.s32 $_size__tile_overlayer_lowered;
	s7 =	simm.s32 $_tile_overlayer_lowered  }
0x9c: {  	s22 =	simm.s32 $0x1BFF;
	s21 =	sshll.u32 s7, $0x1;
	s4 =	sadd.s32 s5, s19  }
0x9d: {  	s8 =	simm.s32 $0x0;
	s20 =	sshll.u32 s6, $0x1;
	s6 =	sadd.s32 s21, s4  }
0x9e: {  	[timem:s8], [sflag:s22] =	dma.local [hbm:s6], s20  }
0x9f: {  	_ =	swait.ge [sflag:s22], s20  }
0xa0: {  	s5 =	ssub.s32 $0x0, s20;
	[sflag:s22] =	ssyncset.done $0x0  }
0xa1: {  	[sflag:s22] =	ssyncadd.s32 s5;
	_ =	sdelay $0x1  }
0xa2: {  	s23 =	simm.s32 $0x1B8B  }
0xa3: {  	_ =	swait.ge [sflag:s23], $0x1  }
0xa4: {  	[sflag:s23] =	ssyncset.done $0x0  }
0xa5: {  	s25 =	simm.s32 $0x1B8E;
	s24 =	sld [smem:$0x3FFE];
	[sflag:s23] =	ssyncadd.s32 $0xFFFFFFFF  }
0xa6: {  	s26 =	simm.s32 $execute0_lowered;
	[smem:$0x3FD2] =	sst s25  }
0xa7: {  	s6 =	sshll.u32 s26, $0x1;
	_ =	strace $0x80000046;
	[dreg:$0x1] =	wrdreg $0xFFFFFFFF  }
0xa8: {  	s28 =	simm.s32 $_size_execute0_lowered;
	s4 =	sadd.s32 s4, s6;
	[dreg:$0x0] =	wrdreg $0x0  }
0xa9: {  	s6 =	sshll.u32 s28, $0x1;
	[dreg:$0x2] =	wrdreg s4  }
0xaa: {  	[dreg:$0x3] =	wrdreg s6  }
0xab: {  	[dreg:$0x4] =	wrdreg $0xC0  }
0xac: {  	_ =	task [dreg:s8], $0x5FFFF  }
0xad: {  	[dreg:$0x1] =	wrdreg $0xFFFFFFFF  }
0xae: {  	[dreg:$0x0] =	wrdreg $0x60  }
0xaf: {  	[dreg:$0x2] =	wrdreg s18  }
0xb0: {  	[dreg:$0x3] =	wrdreg s2  }
0xb1: {  	[dreg:$0x4] =	wrdreg s24  }
0xb2: {  	[dreg:$0x5] =	wrdreg $0x0  }
0xb3: {  	[dreg:$0x6] =	wrdreg $0x9  }
0xb4: {  	_ =	task.clear_ibuf [dreg:s8], $0x7FFFF;
	_ =	strace $0x90000046  }
0xb5: {  	s29 =	simm.s32 $0x9;
	_ =	strace $0x80000048  }
0xb6: {  	_ =	swait.ge [sflag:s29], $0x1  }
0xb7: {  	[sflag:s29] =	ssyncadd.s32 $0xFFFFFFFF  }
0xb8: {  	_ =	strace $0x90000048  }
0xb9: {  	_ =	sfence  }
0xba: {  	s30 =	sld [smem:$0x0];
	_ =	sdelay $0x2  }
0xbb: {  	s31 =	sshll.u32 s1, $0xD;
	s1 =	sshrl.u32 s1, $0x2  }
0xbc: {  	s3 =	sand.u32 $0x4000, s31;
	s1 =	sadd.s32 s1, s30  }
0xbd: {  	s0 =	sor.u32 s3, s0;
	s1 =	sshll.u32 s1, $0x11  }
0xbe: {  	s0 =	sor.u32 s1, s0  }
0xbf: {  	s0 =	sadd.s32 $0x8F2B, s0  }
0xc0: {  	[sflag:s0] =	ssyncadd.remote.s32 $0x1  }
0xc1: {  	_ =	sfence.sel $0xFFFF  }
0xc2: {  	[dreg:$0x0] =	wrdreg $0xFFFFFFFF;
	(pc) =	sbr.abs _section_cstart, $3  }
0xc3: {  	[dreg:$0x1] =	wrdreg $0xFFFFFFFF  }
0xc4: {  	_ =	task.clear_ibuf [dreg:s8], $0x2FFFF;
	_ =	strace $0x9FFFFFFF  }
0xc5: {  	(tm) =	ssettm $0x7FFFFFFF  }
tec
execute0_lowered:
.L_overlay_start_1:
0x0: {  	(tag) =	ssettag $0x1  }
0x1: {  	s1 =	rddreg [dreg:$0x0]  }
0x2: {  	s3 =	rddreg [dreg:$0x1]  }
0x3: {  	s0 =	rddreg [dreg:$0x2]  }
0x4: {  	s4 =	rddreg [dreg:$0x3];
	s2 =	stileid.u32  }
0x5: {  	s5 =	srdreg.scid;
	s17 =	simm.s32 $0x7;
	s18 =	simm.s32 $0x2  }
0x6: {  	s19 =	simm.s32 $0x80;
	s20 =	simm.s32 $0x18200;
	s21 =	simm.s32 $0x3  }
0x7: {  	s22 =	simm.s32 $0x14080;
	s23 =	simm.s32 $0x14200;
	s28 =	simm.s32 $0x14180  }
0x8: {  	s29 =	simm.s32 $0x0;
	s24 =	smul.u32 $0x2800, s2;
	s7 =	sand.u32 $0x1, s5  }
0x9: {  	s6 =	sshll.u32 s2, $0x1;
	s5 =	simm.s32 $0x0;
	s11 =	smul.u32 $0x50000, s2  }
0xa: {  	s12 =	smul.u32 $0x4E00, s2;
	p0 =	sgt.u32 s2, $0x1;
	s15 =	sshll.u32 s2, $0x6  }
0xb: {  	s8 =	smul.u32 $0x28000, s7;
	s9 =	sor.u32 s7, s6;
	[smem:$0x7FF] =	sst s5  }
0xc: {  	s25 =	ssub.s32 $0x2, s7;
	s14 =	smul.u32 $0x2700, s7;
	s15 =	sor.u32 $0x1C07, s15  }
0xd: {  	s6 =	smul.u32 $0x9C0, s9;
	_ =	strace $0x80000047;
	s10 =	sadd.s32 s24, s0  }
0xe: {  	s13 =	sshrl.u32 s25, $0x1;
	s26 =	sshll.u32 s9, $0x5;
	s30 =	sshrl.u32 s11, $0x2  }
0xf: {  	s0 =	sadd.s32 s8, s0;
	s13 =	ssub.s32 s25, s13;
	s8 =	sadd.s32 s26, s1  }
0x10: {  	s12 =	sadd.s32 s14, s12;
	s16 =	sadd.s32 s30, s4;
	s9 =	sadd.s32 $0x2400, s10  }
0x11: {  	s14 =	simm.s32 $0x14100;
	s25 =	simm.s32 $0x1;
	s26 =	simm.s32 $0x4  }
0x12: {  	s6 =	sadd.s32 s1, s6;
	s8 =	sadd.s32 $0x13800, s8;
	s31 =	sadd.s32 $0x180, s12  }
0x13: {  	s0 =	sadd.s32 $0x2A400, s0;
	s10 =	smax.u32 s13, $0x1;
	s12 =	sadd.s32 $0x100, s12  }
0x14: {  	s13 =	simm.s32 $0x14000;
	s16 =	sshrl.u32 s16, $0x3;
	s11 =	sshrl.u32 s31, $0x2  }
0x15: {  	s7 =	sadd.s32 $0x20, s6;
	s24 =	sadd.s32 s24, s0;
	s11 =	sadd.s32 s11, s1  }
.LBB2_1:
0x16: {  	[tilespmem:s13], [sflag:$0x1] =	stream.linear.gather [hbm4b:s6+s5], $0x100, $0x38;
	[tilespmem:$0x1C300] =	vst v63  }
0x17: {  	s0 =	simm.s32 @p0 $0x1  }
0x18: {  	[tilespmem:s14], [sflag:$0x2] =	stream.linear.gather [hbm4b:s7+s5], $0x100, $0x38;
	[tilespmem:$0x1C300] =	vst v63  }
0x19: {  	_ =	swait.ge @p0 [sflag:s0], $0x100  }
0x1a: {  	s30 =	simm.s32 @p0 $0x14000;
	[sflag:s0] =	ssyncset.done @p0 $0x0  }
0x1b: {  	s31 =	simm.s32 @p0 $0x14200;
	[sflag:s0] =	ssyncadd.s32 @p0 $0xFFFFFF00;
	s0 =	simm.s32 @p0 $0x80  }
0x1c: {  	[tilespmem:s31], [sflag:$0x3] =	stream.indirect.gather @p0 [hbm4b:s3+s0], $0x80, s30, s0, $0xb8;
	[tilespmem:$0x1C300] =	vst v63  }
0x1d: {  	s0 =	simm.s32 @!p0 $0x0;
	s30 =	simm.s32 @!p0 $0x1C200  }
0x1e: {  	[tilespmem:s30], [sflag:$0x5] =	stream.linear.gather @!p0 [hbm4b:s8+s0], $0x100, $0x38;
	[tilespmem:$0x1C300] =	vst v63  }
0x1f: {  	s0 =	simm.s32 @!p0 $0x1  }
0x20: {  	_ =	swait.ge @!p0 [sflag:s0], $0x100  }
0x21: {  	s2 =	simm.s32 @!p0 $0x14200;
	[sflag:s0] =	ssyncset.done @!p0 $0x0  }
0x22: {  	s31 =	simm.s32 @!p0 $0x14000;
	[sflag:s0] =	ssyncadd.s32 @!p0 $0xFFFFFF00;
	s0 =	simm.s32 @!p0 $0x80  }
0x23: {  	[tilespmem:s2], [sflag:$0x3] =	stream.indirect.gather @!p0 [hbm4b:s3+s0], $0x80, s31, s0, $0xb8;
	[tilespmem:$0x1C300] =	vst v63  }
0x24: {  	s2 =	simm.s32 @!p0 $0x5  }
0x25: {  	_ =	swait.ge @!p0 [sflag:s2], $0x100  }
0x26: {  	[sflag:s2] =	ssyncset.done @!p0 $0x0  }
0x27: {  	[sflag:s2] =	ssyncadd.s32 @!p0 $0xFFFFFF00;
	s2 =	simm.s32 @!p0 $0x18200  }
0x28: {  	[tilespmem:s2], [sflag:$0x6] =	stream.indirect.gather @!p0 [hbm4b:s3+s0], $0x80, s30, s0, $0xb8;
	[tilespmem:$0x1C300] =	vst v63  }
0x29: {  	[spmem:s16], [sflag:s15] =	dma.local [hbm:s9], $0x2800  }
0x2a: {  	_ =	swait.ge [sflag:s17], $0x2800  }
0x2b: {  	[sflag:s17] =	ssyncset.done $0x0  }
0x2c: {  	[sflag:s17] =	ssyncadd.s32 $0xFFFFD800  }
0x2d: {  	s30 =	simm.s32 @!p0 $0x6;
	[bflag:$0x0] =	sbarrier.arrive $0xFFFF  }
0x2e: {  	_ =	swait.ge @!p0 [sflag:s30], $0x4000  }
0x2f: {  	[sflag:s30] =	ssyncset.done @!p0 $0x0  }
0x30: {  	[sflag:s30] =	ssyncadd.s32 @!p0 $0xFFFFC000;
	s30 =	simm.s32 @!p0 $0x1C280  }
0x31: {  	[spmem:s4] =	stream.indirect.scatter.add.f32 @!p0 [tilespmem:s2], [sflag:$0x7], $0x80, s30, s0, $0xb8;
	[tilespmem:$0x1C300] =	vst v63  }
0x32: {  	s0 =	simm.s32 @!p0 $0x7  }
0x33: {  	_ =	swait.ge @!p0 [sflag:s0], $0x4000  }
0x34: {  	[sflag:s0] =	ssyncset.done @!p0 $0x0  }
0x35: {  	[sflag:s0] =	ssyncadd.s32 @!p0 $0xFFFFC000  }
0x36: {  	_ =	swait.ge [sflag:s18], $0x100  }
0x37: {  	[sflag:s18] =	ssyncset.done $0x0  }
0x38: {  	[sflag:s18] =	ssyncadd.s32 $0xFFFFFF00  }
0x39: {  	[tilespmem:s20], [sflag:$0x4] =	stream.indirect.gather [hbm4b:s3+s19], $0x80, s14, s19, $0xb8;
	[tilespmem:$0x1C300] =	vst v63  }
0x3a: {  	_ =	swait.ge [sflag:s21], $0x4000  }
0x3b: {  	[sflag:s21] =	ssyncset.done $0x0  }
0x3c: {  	[sflag:s21] =	ssyncadd.s32 $0xFFFFC000  }
0x3d: {  	[spmem:s4] =	stream.indirect.scatter.add.f32 [tilespmem:s23], [sflag:$0x7], $0x80, s22, s19, $0xb8;
	[tilespmem:$0x1C300] =	vst v63  }
0x3e: {  	_ =	swait.ge [sflag:s17], $0x4000  }
0x3f: {  	s2 =	sshrl.u32 s12, $0x2;
	[sflag:s17] =	ssyncset.done $0x0  }
0x40: {  	s0 =	sadd.s32 s1, s2;
	[sflag:s17] =	ssyncadd.s32 $0xFFFFC000  }
0x41: {  	[tilespmem:s13], [sflag:$0x1] =	stream.linear.gather [hbm4b:s0+s5], $0x100, $0x38;
	[tilespmem:$0x1C300] =	vst v63  }
0x42: {  	_ =	swait.ge [sflag:s25], $0x100  }
0x43: {  	[sflag:s25] =	ssyncset.done $0x0  }
0x44: {  	[sflag:s25] =	ssyncadd.s32 $0xFFFFFF00  }
0x45: {  	[tilespmem:s23], [sflag:$0x3] =	stream.indirect.gather [hbm4b:s3+s19], $0x80, s13, s19, $0xb8;
	[tilespmem:$0x1C300] =	vst v63  }
0x46: {  	_ =	swait.ge [sflag:s26], $0x4000  }
0x47: {  	[sflag:s26] =	ssyncset.done $0x0  }
0x48: {  	[sflag:s26] =	ssyncadd.s32 $0xFFFFC000  }
0x49: {  	[spmem:s4] =	stream.indirect.scatter.add.f32 [tilespmem:s20], [sflag:$0x7], $0x80, s28, s19, $0xb8;
	[tilespmem:$0x1C300] =	vst v63  }
0x4a: {  	_ =	swait.ge [sflag:s17], $0x4000  }
0x4b: {  	s31 =	sadd.s32 $0x100, s12;
	[sflag:s17] =	ssyncset.done $0x0  }
0x4c: {  	s30 =	simm.s32 $0x40;
	s0 =	sadd.s32 $0x0, s11;
	[sflag:s17] =	ssyncadd.s32 $0xFFFFC000  }
.LBB2_2:
0x4d: {  	[tilespmem:s14], [sflag:$0x2] =	stream.linear.gather [hbm4b:s0+s5], $0x100, $0x38;
	[tilespmem:$0x1C300] =	vst v63  }
0x4e: {  	s0 =	smov.u32 s30  }
0x4f: {  	p1 =	sne.s32 s30, $0x940;
	s30 =	sadd.s32 $0x40, s30;
	_ =	swait.ge [sflag:s18], $0x100  }
0x50: {  	[sflag:s18] =	ssyncset.done $0x0  }
0x51: {  	[sflag:s18] =	ssyncadd.s32 $0xFFFFFF00  }
0x52: {  	[tilespmem:s20], [sflag:$0x4] =	stream.indirect.gather [hbm4b:s3+s19], $0x80, s14, s19, $0xb8;
	[tilespmem:$0x1C300] =	vst v63  }
0x53: {  	_ =	swait.ge [sflag:s21], $0x4000  }
0x54: {  	[sflag:s21] =	ssyncset.done $0x0  }
0x55: {  	[sflag:s21] =	ssyncadd.s32 $0xFFFFC000  }
0x56: {  	[spmem:s4] =	stream.indirect.scatter.add.f32 [tilespmem:s23], [sflag:$0x7], $0x80, s22, s19, $0xb8;
	[tilespmem:$0x1C300] =	vst v63  }
0x57: {  	_ =	swait.ge [sflag:s17], $0x4000  }
0x58: {  	s2 =	sshrl.u32 s31, $0x2;
	[sflag:s17] =	ssyncset.done $0x0  }
0x59: {  	s2 =	sadd.s32 s1, s2;
	[sflag:s17] =	ssyncadd.s32 $0xFFFFC000  }
0x5a: {  	[tilespmem:s13], [sflag:$0x1] =	stream.linear.gather [hbm4b:s2+s5], $0x100, $0x38;
	[tilespmem:$0x1C300] =	vst v63  }
0x5b: {  	_ =	swait.ge [sflag:s25], $0x100  }
0x5c: {  	[sflag:s25] =	ssyncset.done $0x0  }
0x5d: {  	[sflag:s25] =	ssyncadd.s32 $0xFFFFFF00  }
0x5e: {  	[tilespmem:s23], [sflag:$0x3] =	stream.indirect.gather [hbm4b:s3+s19], $0x80, s13, s19, $0xb8;
	[tilespmem:$0x1C300] =	vst v63  }
0x5f: {  	_ =	swait.ge [sflag:s26], $0x4000  }
0x60: {  	[sflag:s26] =	ssyncset.done $0x0  }
.Ltmp0:
0x61: {  	[sflag:s26] =	ssyncadd.s32 $0xFFFFC000;
	(pc) =	sbr.rel @p1 .LBB2_2-.Ltmp0, $4  }
0x62: {  	[spmem:s4] =	stream.indirect.scatter.add.f32 [tilespmem:s20], [sflag:$0x7], $0x80, s28, s19, $0xb8;
	[tilespmem:$0x1C300] =	vst v63  }
0x63: {  	_ =	swait.ge [sflag:s17], $0x4000  }
0x64: {  	[sflag:s17] =	ssyncset.done $0x0  }
0x65: {  	s31 =	sadd.s32 $0x100, s31;
	s0 =	sadd.s32 s0, s11;
	[sflag:s17] =	ssyncadd.s32 $0xFFFFC000  }
0x66: {  	[tilespmem:s14], [sflag:$0x2] =	stream.linear.gather [hbm4b:s0+s5], $0x100, $0x38;
	[tilespmem:$0x1C300] =	vst v63  }
0x67: {  	_ =	swait.ge [sflag:s18], $0x100  }
0x68: {  	[sflag:s18] =	ssyncset.done $0x0  }
0x69: {  	[sflag:s18] =	ssyncadd.s32 $0xFFFFFF00  }
0x6a: {  	[tilespmem:s20], [sflag:$0x4] =	stream.indirect.gather [hbm4b:s3+s19], $0x80, s14, s19, $0xb8;
	[tilespmem:$0x1C300] =	vst v63  }
0x6b: {  	_ =	swait.ge [sflag:s21], $0x4000  }
0x6c: {  	[sflag:s21] =	ssyncset.done $0x0  }
0x6d: {  	[sflag:s21] =	ssyncadd.s32 $0xFFFFC000  }
0x6e: {  	[spmem:s4] =	stream.indirect.scatter.add.f32 [tilespmem:s23], [sflag:$0x7], $0x80, s22, s19, $0xb8;
	[tilespmem:$0x1C300] =	vst v63  }
0x6f: {  	_ =	swait.ge [sflag:s17], $0x4000  }
0x70: {  	[sflag:s17] =	ssyncset.done $0x0  }
0x71: {  	[sflag:s17] =	ssyncadd.s32 $0xFFFFC000  }
0x72: {  	_ =	swait.ge [sflag:s26], $0x4000  }
0x73: {  	[sflag:s26] =	ssyncset.done $0x0  }
0x74: {  	[sflag:s26] =	ssyncadd.s32 $0xFFFFC000  }
0x75: {  	[spmem:s4] =	stream.indirect.scatter.add.f32 [tilespmem:s20], [sflag:$0x7], $0x80, s28, s19, $0xb8;
	[tilespmem:$0x1C300] =	vst v63  }
0x76: {  	_ =	swait.ge [sflag:s17], $0x4000  }
0x77: {  	s29 =	sadd.s32 $0x1, s29;
	[sflag:s17] =	ssyncset.done $0x0  }
0x78: {  	p1 =	sne.s32 s29, s10;
	[sflag:s17] =	ssyncadd.s32 $0xFFFFC000  }
.Ltmp1:
0x79: {  	[bflag:$0x0] =	sbarrier.arrive $0xFFFF;
	(pc) =	sbr.rel @p1 .LBB2_1-.Ltmp1, $4  }
0x7a: {  	[hbm:s24], [sflag:s15] =	dma.local [spmem:s16], $0x2800  }
0x7b: {  	_ =	swait.ge [sflag:s17], $0x2800  }
0x7c: {  	[sflag:s17] =	ssyncset.done $0x0  }
0x7d: {  	[sflag:s17] =	ssyncadd.s32 $0xFFFFD800  }
0x7e: {  	_ =	sfence.sel $0x180000  }
0x7f: {  	[bflag:$0x0] =	sbarrier.arrive $0xFFFF  }
0x80: {  	_ =	strace $0x90000047  }
0x81: {  	s0 =	stileid.u32;
	[bflag:$0x2] =	sbarrier.arrive $0xFFFF  }
0x82: {  	p0 =	sne.s32 s0, $0x0;
	s0 =	rddreg [dreg:$0x4]  }
0x83: {  	s0 =	sadd.s32 @!p0 $0x100000, s0  }
0x84: {  	[sflag:s0] =	ssyncadd.tile.s32 @!p0 $0x1;
	_ =	shalt  }
.Lfunc_end2:
_tile_overlayer_lowered:
.L_overlay_start_2:
0x85: {  	(tag) =	ssettag $0x2  }
0x86: {  	s0 =	rddreg [dreg:$0x0];
	s2 =	stileid.u32  }
0x87: {  	s1 =	rddreg [dreg:$0x1];
	p0 =	sne.s32 s2, $0x0  }
0x88: {  	s3 =	rddreg [dreg:$0x2];
	[bflag:$0x3] =	sbarrier.arrive $0xFFFF;
	s2 =	simm.s32 @!p0 $0x1C07  }
0x89: {  	[timem:s3], [sflag:s2] =	dma.local @!p0 [hbm:s0], s1  }
0x8a: {  	s0 =	simm.s32 @!p0 $0x7  }
0x8b: {  	_ =	swait.ge @!p0 [sflag:s0], s1  }
0x8c: {  	s1 =	ssub.s32 @!p0 $0x0, s1;
	[sflag:s0] =	ssyncset.done @!p0 $0x0  }
0x8d: {  	[sflag:s0] =	ssyncadd.s32 @!p0 s1  }
0x8e: {  	[bflag:$0x3] =	sbarrier.arrive $0xFFFF  }
0x8f: {  	_ =	shalt  }

// kernel: kernel.9.cloned.1.call-start
scs
__scs_entry_jumppad:
0x0: {  	(pc) =	sbr.rel $0x88, $3  }
0x1: {  	(tag) =	ssettag $0x0;
	lr =	simm.s32 $0x1  }
0x2: {  	[smem:$0x3F99] =	sst lr;
	_ =	strace $0xD0000000  }
0x3: {  	_ = 	snop  }
0x4: {  	_ = 	snop  }
0x5: {  	_ = 	snop  }
0x6: {  	_ = 	snop  }
0x7: {  	_ = 	snop  }
__scs_overlays_trampoline_lowered:
0x8: {  	[smem:$0x3FA8] =	sst s0  }
0x9: {  	[smem:$0x3FA9] =	sst s1  }
0xa: {  	[smem:$0x3FAA] =	sst s2  }
0xb: {  	[smem:$0x3FAB] =	sst s3  }
0xc: {  	[smem:$0x3FAC] =	sst s4  }
0xd: {  	[smem:$0x3FAD] =	sst s5  }
0xe: {  	[smem:$0x3FAE] =	sst s6  }
0xf: {  	[smem:$0x3FAF] =	sst s7  }
0x10: {  	[smem:$0x3FB0] =	sst s8  }
0x11: {  	[smem:$0x3FB1] =	sst s9;
	s0 =	simm.s32 @!p0 $0x0  }
0x12: {  	s1 =	sld [smem:$0x3F97];
	s0 =	simm.s32 @p0 $0x1  }
0x13: {  	[smem:$0x3FB2] =	sst s0;
	s0 =	simm.s32 @!p1 $0x0  }
0x14: {  	s2 =	sld [smem:$0x3F96];
	s0 =	simm.s32 @p1 $0x1  }
0x15: {  	[smem:$0x3FB3] =	sst s0;
	s0 =	simm.s32 @!p2 $0x0  }
0x16: {  	s3 =	sld [smem:$0x3FDB];
	s0 =	simm.s32 @p2 $0x1  }
0x17: {  	s4 =	simm.s32 $0x1BF5;
	[smem:$0x3FB5] =	sst s0  }
0x18: {  	s0 =	sld [smem:$0x3F98];
	_ =	swait.ge [sflag:s4], $0x0  }
0x19: {  	s7 =	sld [smem:$0x3F99]  }
0x1a: {  	s8 =	sadd.s32 $0xFFFFE003, lr  }
0x1b: {  	s9 =	sadd.s32 $0xFFFFFEF7, lr;
	s5 =	simm.s32 $0xFFFFFFFF;
	p2 =	slt.u32 s8, $0xFFFFF086  }
0x1c: {  	p1 =	slt.u32 s9, $0xF7A;
	s5 =	simm.s32 @!p2 $0x0  }
0x1d: {  	s5 =	simm.s32 @p1 $0x1;
	p0 =	seq.s32 s7, s2  }
0x1e: {  	s7 =	smul.u32 @!p0 $0xF7A, s2;
	p2 =	seq.s32 @!p0 s5, $0x0  }
0x1f: {  	s9 =	smul.u32 $0xF7A, s1;
	s8 =	simm.s32 @!p0 $0x1BF5;
	p2 =	por !p2, p0  }
0x20: {  	[sflag:s8] =	ssyncset.s32 @!p0 $0xFFFFF086;
	s6 =	sadd.s32 @!p0 s3, s7;
	s7 =	simm.s32 @!p0 $0x108  }
0x21: {  	s3 =	sadd.s32 s3, s9;
	s6 =	sadd.s32 @!p0 $0x88, s6;
	s7 =	simm.s32 @p2 $0x1082  }
0x22: {  	[simem:s7], [sflag:s8] =	dma.local @!p0 [hbm:s6], $0xF7A  }
0x23: {  	s9 =	sor.u32 $0xD0000000, s2;
	s6 =	simm.s32 $0x108;
	_ =	swait.ge @!p0 [sflag:s8], $0x0  }
0x24: {  	s3 =	sadd.s32 $0x88, s3;
	s6 =	simm.s32 @!p1 $0x1082;
	[sflag:s4] =	ssyncset.s32 $0xFFFFF086  }
0x25: {  	[simem:s6], [sflag:s4] =	dma.local [hbm:s3], $0xF7A  }
0x26: {  	[smem:$0x3F99] =	sst s1;
	(tag) =	ssettag s2;
	_ =	strace s9  }
0x27: {  	s1 =	sld [smem:$0x3FA9]  }
0x28: {  	s2 =	sld [smem:$0x3FAA]  }
0x29: {  	s4 =	sld [smem:$0x3FAC]  }
0x2a: {  	p0 =	seq.s32 s5, $0x0;
	s5 =	sld [smem:$0x3FAD]  }
0x2b: {  	s6 =	sld [smem:$0x3FAE]  }
0x2c: {  	s7 =	sld [smem:$0x3FAF]  }
0x2d: {  	s3 =	simm.s32 $0x108;
	s8 =	sld [smem:$0x3FB0]  }
0x2e: {  	s3 =	simm.s32 @!p0 $0x1082;
	s9 =	sld [smem:$0x3FB1]  }
0x2f: {  	lr =	sadd.s32 s0, s3;
	s0 =	sld [smem:$0x3FA8]  }
0x30: {  	s3 =	sld [smem:$0x3FAB]  }
0x31: {  	[smem:$0x3FB4] =	sst s10  }
0x32: {  	s10 =	sld [smem:$0x3FB2];
	_ =	sdelay $0x3  }
0x33: {  	p0 =	seq.s32 s10, $0x1;
	s10 =	sld [smem:$0x3FB4];
	_ =	sdelay $0x3  }
0x34: {  	[smem:$0x3FB4] =	sst s10  }
0x35: {  	s10 =	sld [smem:$0x3FB3];
	_ =	sdelay $0x3  }
0x36: {  	p1 =	seq.s32 s10, $0x1;
	s10 =	sld [smem:$0x3FB4];
	_ =	sdelay $0x3  }
0x37: {  	[smem:$0x3FB4] =	sst s10  }
0x38: {  	s10 =	sld [smem:$0x3FB5]  }
0x39: {  	_ = 	snop;
	(pc) =	sbr.ind lr, $3  }
0x3a: {  	_ = 	snop  }
0x3b: {  	_ = 	snop  }
0x3c: {  	p2 =	seq.s32 s10, $0x1;
	s10 =	sld [smem:$0x3FB4]  }
0x3d: {  	_ =	shalt  }
0x3e: {  	_ =	shalt  }
0x3f: {  	_ =	shalt  }
0x40: {  	_ =	shalt  }
0x41: {  	_ =	shalt  }
0x42: {  	_ =	shalt  }
0x43: {  	_ =	shalt  }
0x44: {  	_ =	shalt  }
0x45: {  	_ =	shalt  }
0x46: {  	_ =	shalt  }
0x47: {  	_ =	shalt  }
0x48: {  	_ =	shalt  }
0x49: {  	_ =	shalt  }
0x4a: {  	_ =	shalt  }
0x4b: {  	_ =	shalt  }
0x4c: {  	_ =	shalt  }
0x4d: {  	_ =	shalt  }
0x4e: {  	_ =	shalt  }
0x4f: {  	_ =	shalt  }
0x50: {  	_ =	shalt  }
0x51: {  	_ =	shalt  }
0x52: {  	_ =	shalt  }
0x53: {  	_ =	shalt  }
0x54: {  	_ =	shalt  }
0x55: {  	_ =	shalt  }
0x56: {  	_ =	shalt  }
0x57: {  	_ =	shalt  }
0x58: {  	_ =	shalt  }
0x59: {  	_ =	shalt  }
0x5a: {  	_ =	shalt  }
0x5b: {  	_ =	shalt  }
0x5c: {  	_ =	shalt  }
0x5d: {  	_ =	shalt  }
0x5e: {  	_ =	shalt  }
0x5f: {  	_ =	shalt  }
0x60: {  	_ =	shalt  }
0x61: {  	_ =	shalt  }
0x62: {  	_ =	shalt  }
0x63: {  	_ =	shalt  }
0x64: {  	_ =	shalt  }
0x65: {  	_ =	shalt  }
0x66: {  	_ =	shalt  }
0x67: {  	_ =	shalt  }
0x68: {  	_ =	shalt  }
0x69: {  	_ =	shalt  }
0x6a: {  	_ =	shalt  }
0x6b: {  	_ =	shalt  }
0x6c: {  	_ =	shalt  }
0x6d: {  	_ =	shalt  }
0x6e: {  	_ =	shalt  }
0x6f: {  	_ =	shalt  }
0x70: {  	_ =	shalt  }
0x71: {  	_ =	shalt  }
0x72: {  	_ =	shalt  }
0x73: {  	_ =	shalt  }
0x74: {  	_ =	shalt  }
0x75: {  	_ =	shalt  }
0x76: {  	_ =	shalt  }
0x77: {  	_ =	shalt  }
0x78: {  	_ =	shalt  }
0x79: {  	_ =	shalt  }
0x7a: {  	_ =	shalt  }
0x7b: {  	_ =	shalt  }
0x7c: {  	_ =	shalt  }
0x7d: {  	_ =	shalt  }
0x7e: {  	_ =	shalt  }
0x7f: {  	_ =	shalt  }
0x80: {  	_ =	shalt  }
0x81: {  	_ =	shalt  }
0x82: {  	_ =	shalt  }
0x83: {  	_ =	shalt  }
0x84: {  	_ =	shalt  }
0x85: {  	_ =	shalt  }
0x86: {  	_ =	shalt  }
0x87: {  	_ =	shalt  }
.Lfunc_end0:
.L_simem_size_0:
called_computation.1_lowered:
.L_overlay_start_0:
0x88: {  	s2 =	sld [smem:$0x3FD9]  }
0x89: {  	s3 =	sld [smem:$0x3FFE];
	_ =	sdelay $0x1  }
0x8a: {  	s1 =	srdreg.scid  }
0x8b: {  	s0 =	sand.u32 $0x1, s1  }
0x8c: {  	s17 =	sshll.u32 s0, $0xA;
	s2 =	sadd.s32 s3, s2  }
0x8d: {  	s2 =	sadd.s32 s2, s17  }
0x8e: {  	[smem:$0x3FC0] =	sst s2  }
0x8f: {  	_ = 	snop  }
0x90: {  	s2 =	sld [smem:$0x3FC8]  }
0x91: {  	s18 =	sld [smem:$0x3FD0];
	(tm) =	ssettm $0x1  }
0x92: {  	s4 =	sld [smem:$0x3FFB];
	_ =	sdelay $0x3  }
0x93: {  	_ =	strace s4  }
0x94: {  	s4 =	sld [smem:$0x3FFC];
	_ =	sdelay $0x3  }
0x95: {  	_ =	strace s4  }
0x96: {  	s4 =	sld [smem:$0x3FFD];
	_ =	sdelay $0x3  }
0x97: {  	_ =	strace s4  }
0x98: {  	_ =	strace $0x8FFFFFFF  }
0x99: {  	s19 =	sld [smem:$0x3FDB];
	_ =	sdelay $0x1  }
0x9a: {  	s5 =	simm.s32 $_scs_section_size  }
0x9b: {  	s6 =	simm.s32 $_size__tile_overlayer_lowered;
	s7 =	simm.s32 $_tile_overlayer_lowered  }
0x9c: {  	s22 =	simm.s32 $0x1BFF;
	s21 =	sshll.u32 s7, $0x1;
	s4 =	sadd.s32 s5, s19  }
0x9d: {  	s8 =	simm.s32 $0x0;
	s20 =	sshll.u32 s6, $0x1;
	s6 =	sadd.s32 s21, s4  }
0x9e: {  	[timem:s8], [sflag:s22] =	dma.local [hbm:s6], s20  }
0x9f: {  	_ =	swait.ge [sflag:s22], s20  }
0xa0: {  	s5 =	ssub.s32 $0x0, s20;
	[sflag:s22] =	ssyncset.done $0x0  }
0xa1: {  	[sflag:s22] =	ssyncadd.s32 s5;
	_ =	sdelay $0x1  }
0xa2: {  	s23 =	simm.s32 $0x1B8B  }
0xa3: {  	_ =	swait.ge [sflag:s23], $0x1  }
0xa4: {  	[sflag:s23] =	ssyncset.done $0x0  }
0xa5: {  	s25 =	simm.s32 $0x1B8E;
	s24 =	sld [smem:$0x3FFE];
	[sflag:s23] =	ssyncadd.s32 $0xFFFFFFFF  }
0xa6: {  	s26 =	simm.s32 $execute0_lowered;
	[smem:$0x3FD2] =	sst s25  }
0xa7: {  	s6 =	sshll.u32 s26, $0x1;
	_ =	strace $0x80000049;
	[dreg:$0x1] =	wrdreg $0xFFFFFFFF  }
0xa8: {  	s28 =	simm.s32 $_size_execute0_lowered;
	s4 =	sadd.s32 s4, s6;
	[dreg:$0x0] =	wrdreg $0x0  }
0xa9: {  	s6 =	sshll.u32 s28, $0x1;
	[dreg:$0x2] =	wrdreg s4  }
0xaa: {  	[dreg:$0x3] =	wrdreg s6  }
0xab: {  	[dreg:$0x4] =	wrdreg $0xC0  }
0xac: {  	_ =	task [dreg:s8], $0x5FFFF  }
0xad: {  	[dreg:$0x1] =	wrdreg $0xFFFFFFFF  }
0xae: {  	[dreg:$0x0] =	wrdreg $0x60  }
0xaf: {  	[dreg:$0x2] =	wrdreg s2  }
0xb0: {  	[dreg:$0x3] =	wrdreg s18  }
0xb1: {  	[dreg:$0x4] =	wrdreg s24  }
0xb2: {  	[dreg:$0x5] =	wrdreg $0x0  }
0xb3: {  	[dreg:$0x6] =	wrdreg $0x9  }
0xb4: {  	_ =	task.clear_ibuf [dreg:s8], $0x7FFFF;
	_ =	strace $0x90000049  }
0xb5: {  	s29 =	simm.s32 $0x9;
	_ =	strace $0x8000004B  }
0xb6: {  	_ =	swait.ge [sflag:s29], $0x1  }
0xb7: {  	[sflag:s29] =	ssyncadd.s32 $0xFFFFFFFF  }
0xb8: {  	_ =	strace $0x9000004B  }
0xb9: {  	_ =	sfence  }
0xba: {  	s30 =	sld [smem:$0x0];
	_ =	sdelay $0x2  }
0xbb: {  	s31 =	sshll.u32 s1, $0xD;
	s1 =	sshrl.u32 s1, $0x2  }
0xbc: {  	s3 =	sand.u32 $0x4000, s31;
	s1 =	sadd.s32 s1, s30  }
0xbd: {  	s0 =	sor.u32 s3, s0;
	s1 =	sshll.u32 s1, $0x11  }
0xbe: {  	s0 =	sor.u32 s1, s0  }
0xbf: {  	s0 =	sadd.s32 $0x8F2B, s0  }
0xc0: {  	[sflag:s0] =	ssyncadd.remote.s32 $0x1  }
0xc1: {  	_ =	sfence.sel $0xFFFF  }
0xc2: {  	[dreg:$0x0] =	wrdreg $0xFFFFFFFF;
	(pc) =	sbr.abs _section_cstart, $3  }
0xc3: {  	[dreg:$0x1] =	wrdreg $0xFFFFFFFF  }
0xc4: {  	_ =	task.clear_ibuf [dreg:s8], $0x2FFFF;
	_ =	strace $0x9FFFFFFF  }
0xc5: {  	(tm) =	ssettm $0x7FFFFFFF  }
tec
execute0_lowered:
.L_overlay_start_1:
0x0: {  	(tag) =	ssettag $0x1  }
0x1: {  	s1 =	rddreg [dreg:$0x0]  }
0x2: {  	s3 =	rddreg [dreg:$0x1]  }
0x3: {  	s0 =	rddreg [dreg:$0x2]  }
0x4: {  	s4 =	rddreg [dreg:$0x3];
	s2 =	stileid.u32  }
0x5: {  	s5 =	srdreg.scid;
	s17 =	simm.s32 $0x7;
	s18 =	simm.s32 $0x2  }
0x6: {  	s19 =	simm.s32 $0x80;
	s20 =	simm.s32 $0x18200;
	s21 =	simm.s32 $0x3  }
0x7: {  	s22 =	simm.s32 $0x14080;
	s23 =	simm.s32 $0x14200;
	s28 =	simm.s32 $0x14180  }
0x8: {  	s29 =	simm.s32 $0x0;
	s24 =	smul.u32 $0x2800, s2;
	s7 =	sand.u32 $0x1, s5  }
0x9: {  	s6 =	sshll.u32 s2, $0x1;
	s5 =	simm.s32 $0x0;
	s11 =	smul.u32 $0x50000, s2  }
0xa: {  	s12 =	smul.u32 $0x4E00, s2;
	p0 =	sgt.u32 s2, $0x1;
	s15 =	sshll.u32 s2, $0x6  }
0xb: {  	s8 =	smul.u32 $0x28000, s7;
	s9 =	sor.u32 s7, s6;
	[smem:$0x7FF] =	sst s5  }
0xc: {  	s25 =	ssub.s32 $0x2, s7;
	s14 =	smul.u32 $0x2700, s7;
	s15 =	sor.u32 $0x1C07, s15  }
0xd: {  	s6 =	smul.u32 $0x9C0, s9;
	_ =	strace $0x8000004A;
	s10 =	sadd.s32 s24, s0  }
0xe: {  	s13 =	sshrl.u32 s25, $0x1;
	s26 =	sshll.u32 s9, $0x5;
	s30 =	sshrl.u32 s11, $0x2  }
0xf: {  	s0 =	sadd.s32 s8, s0;
	s13 =	ssub.s32 s25, s13;
	s8 =	sadd.s32 s26, s1  }
0x10: {  	s12 =	sadd.s32 s14, s12;
	s16 =	sadd.s32 s30, s4;
	s9 =	sadd.s32 $0x2400, s10  }
0x11: {  	s14 =	simm.s32 $0x14100;
	s25 =	simm.s32 $0x1;
	s26 =	simm.s32 $0x4  }
0x12: {  	s6 =	sadd.s32 s1, s6;
	s8 =	sadd.s32 $0x13800, s8;
	s31 =	sadd.s32 $0x180, s12  }
0x13: {  	s0 =	sadd.s32 $0x2A400, s0;
	s10 =	smax.u32 s13, $0x1;
	s12 =	sadd.s32 $0x100, s12  }
0x14: {  	s13 =	simm.s32 $0x14000;
	s16 =	sshrl.u32 s16, $0x3;
	s11 =	sshrl.u32 s31, $0x2  }
0x15: {  	s7 =	sadd.s32 $0x20, s6;
	s24 =	sadd.s32 s24, s0;
	s11 =	sadd.s32 s11, s1  }
.LBB2_1:
0x16: {  	[tilespmem:s13], [sflag:$0x1] =	stream.linear.gather [hbm4b:s6+s5], $0x100, $0x38;
	[tilespmem:$0x1C300] =	vst v63  }
0x17: {  	s0 =	simm.s32 @p0 $0x1  }
0x18: {  	[tilespmem:s14], [sflag:$0x2] =	stream.linear.gather [hbm4b:s7+s5], $0x100, $0x38;
	[tilespmem:$0x1C300] =	vst v63  }
0x19: {  	_ =	swait.ge @p0 [sflag:s0], $0x100  }
0x1a: {  	s30 =	simm.s32 @p0 $0x14000;
	[sflag:s0] =	ssyncset.done @p0 $0x0  }
0x1b: {  	s31 =	simm.s32 @p0 $0x14200;
	[sflag:s0] =	ssyncadd.s32 @p0 $0xFFFFFF00;
	s0 =	simm.s32 @p0 $0x80  }
0x1c: {  	[tilespmem:s31], [sflag:$0x3] =	stream.indirect.gather @p0 [hbm4b:s3+s0], $0x80, s30, s0, $0xb8;
	[tilespmem:$0x1C300] =	vst v63  }
0x1d: {  	s0 =	simm.s32 @!p0 $0x0;
	s30 =	simm.s32 @!p0 $0x1C200  }
0x1e: {  	[tilespmem:s30], [sflag:$0x5] =	stream.linear.gather @!p0 [hbm4b:s8+s0], $0x100, $0x38;
	[tilespmem:$0x1C300] =	vst v63  }
0x1f: {  	s0 =	simm.s32 @!p0 $0x1  }
0x20: {  	_ =	swait.ge @!p0 [sflag:s0], $0x100  }
0x21: {  	s2 =	simm.s32 @!p0 $0x14200;
	[sflag:s0] =	ssyncset.done @!p0 $0x0  }
0x22: {  	s31 =	simm.s32 @!p0 $0x14000;
	[sflag:s0] =	ssyncadd.s32 @!p0 $0xFFFFFF00;
	s0 =	simm.s32 @!p0 $0x80  }
0x23: {  	[tilespmem:s2], [sflag:$0x3] =	stream.indirect.gather @!p0 [hbm4b:s3+s0], $0x80, s31, s0, $0xb8;
	[tilespmem:$0x1C300] =	vst v63  }
0x24: {  	s2 =	simm.s32 @!p0 $0x5  }
0x25: {  	_ =	swait.ge @!p0 [sflag:s2], $0x100  }
0x26: {  	[sflag:s2] =	ssyncset.done @!p0 $0x0  }
0x27: {  	[sflag:s2] =	ssyncadd.s32 @!p0 $0xFFFFFF00;
	s2 =	simm.s32 @!p0 $0x18200  }
0x28: {  	[tilespmem:s2], [sflag:$0x6] =	stream.indirect.gather @!p0 [hbm4b:s3+s0], $0x80, s30, s0, $0xb8;
	[tilespmem:$0x1C300] =	vst v63  }
0x29: {  	[spmem:s16], [sflag:s15] =	dma.local [hbm:s9], $0x2800  }
0x2a: {  	_ =	swait.ge [sflag:s17], $0x2800  }
0x2b: {  	[sflag:s17] =	ssyncset.done $0x0  }
0x2c: {  	[sflag:s17] =	ssyncadd.s32 $0xFFFFD800  }
0x2d: {  	s30 =	simm.s32 @!p0 $0x6;
	[bflag:$0x0] =	sbarrier.arrive $0xFFFF  }
0x2e: {  	_ =	swait.ge @!p0 [sflag:s30], $0x4000  }
0x2f: {  	[sflag:s30] =	ssyncset.done @!p0 $0x0  }
0x30: {  	[sflag:s30] =	ssyncadd.s32 @!p0 $0xFFFFC000;
	s30 =	simm.s32 @!p0 $0x1C280  }
0x31: {  	[spmem:s4] =	stream.indirect.scatter.add.f32 @!p0 [tilespmem:s2], [sflag:$0x7], $0x80, s30, s0, $0xb8;
	[tilespmem:$0x1C300] =	vst v63  }
0x32: {  	s0 =	simm.s32 @!p0 $0x7  }
0x33: {  	_ =	swait.ge @!p0 [sflag:s0], $0x4000  }
0x34: {  	[sflag:s0] =	ssyncset.done @!p0 $0x0  }
0x35: {  	[sflag:s0] =	ssyncadd.s32 @!p0 $0xFFFFC000  }
0x36: {  	_ =	swait.ge [sflag:s18], $0x100  }
0x37: {  	[sflag:s18] =	ssyncset.done $0x0  }
0x38: {  	[sflag:s18] =	ssyncadd.s32 $0xFFFFFF00  }
0x39: {  	[tilespmem:s20], [sflag:$0x4] =	stream.indirect.gather [hbm4b:s3+s19], $0x80, s14, s19, $0xb8;
	[tilespmem:$0x1C300] =	vst v63  }
0x3a: {  	_ =	swait.ge [sflag:s21], $0x4000  }
0x3b: {  	[sflag:s21] =	ssyncset.done $0x0  }
0x3c: {  	[sflag:s21] =	ssyncadd.s32 $0xFFFFC000  }
0x3d: {  	[spmem:s4] =	stream.indirect.scatter.add.f32 [tilespmem:s23], [sflag:$0x7], $0x80, s22, s19, $0xb8;
	[tilespmem:$0x1C300] =	vst v63  }
0x3e: {  	_ =	swait.ge [sflag:s17], $0x4000  }
0x3f: {  	s2 =	sshrl.u32 s12, $0x2;
	[sflag:s17] =	ssyncset.done $0x0  }
0x40: {  	s0 =	sadd.s32 s1, s2;
	[sflag:s17] =	ssyncadd.s32 $0xFFFFC000  }
0x41: {  	[tilespmem:s13], [sflag:$0x1] =	stream.linear.gather [hbm4b:s0+s5], $0x100, $0x38;
	[tilespmem:$0x1C300] =	vst v63  }
0x42: {  	_ =	swait.ge [sflag:s25], $0x100  }
0x43: {  	[sflag:s25] =	ssyncset.done $0x0  }
0x44: {  	[sflag:s25] =	ssyncadd.s32 $0xFFFFFF00  }
0x45: {  	[tilespmem:s23], [sflag:$0x3] =	stream.indirect.gather [hbm4b:s3+s19], $0x80, s13, s19, $0xb8;
	[tilespmem:$0x1C300] =	vst v63  }
0x46: {  	_ =	swait.ge [sflag:s26], $0x4000  }
0x47: {  	[sflag:s26] =	ssyncset.done $0x0  }
0x48: {  	[sflag:s26] =	ssyncadd.s32 $0xFFFFC000  }
0x49: {  	[spmem:s4] =	stream.indirect.scatter.add.f32 [tilespmem:s20], [sflag:$0x7], $0x80, s28, s19, $0xb8;
	[tilespmem:$0x1C300] =	vst v63  }
0x4a: {  	_ =	swait.ge [sflag:s17], $0x4000  }
0x4b: {  	s31 =	sadd.s32 $0x100, s12;
	[sflag:s17] =	ssyncset.done $0x0  }
0x4c: {  	s30 =	simm.s32 $0x40;
	s0 =	sadd.s32 $0x0, s11;
	[sflag:s17] =	ssyncadd.s32 $0xFFFFC000  }
.LBB2_2:
0x4d: {  	[tilespmem:s14], [sflag:$0x2] =	stream.linear.gather [hbm4b:s0+s5], $0x100, $0x38;
	[tilespmem:$0x1C300] =	vst v63  }
0x4e: {  	s0 =	smov.u32 s30  }
0x4f: {  	p1 =	sne.s32 s30, $0x940;
	s30 =	sadd.s32 $0x40, s30;
	_ =	swait.ge [sflag:s18], $0x100  }
0x50: {  	[sflag:s18] =	ssyncset.done $0x0  }
0x51: {  	[sflag:s18] =	ssyncadd.s32 $0xFFFFFF00  }
0x52: {  	[tilespmem:s20], [sflag:$0x4] =	stream.indirect.gather [hbm4b:s3+s19], $0x80, s14, s19, $0xb8;
	[tilespmem:$0x1C300] =	vst v63  }
0x53: {  	_ =	swait.ge [sflag:s21], $0x4000  }
0x54: {  	[sflag:s21] =	ssyncset.done $0x0  }
0x55: {  	[sflag:s21] =	ssyncadd.s32 $0xFFFFC000  }
0x56: {  	[spmem:s4] =	stream.indirect.scatter.add.f32 [tilespmem:s23], [sflag:$0x7], $0x80, s22, s19, $0xb8;
	[tilespmem:$0x1C300] =	vst v63  }
0x57: {  	_ =	swait.ge [sflag:s17], $0x4000  }
0x58: {  	s2 =	sshrl.u32 s31, $0x2;
	[sflag:s17] =	ssyncset.done $0x0  }
0x59: {  	s2 =	sadd.s32 s1, s2;
	[sflag:s17] =	ssyncadd.s32 $0xFFFFC000  }
0x5a: {  	[tilespmem:s13], [sflag:$0x1] =	stream.linear.gather [hbm4b:s2+s5], $0x100, $0x38;
	[tilespmem:$0x1C300] =	vst v63  }
0x5b: {  	_ =	swait.ge [sflag:s25], $0x100  }
0x5c: {  	[sflag:s25] =	ssyncset.done $0x0  }
0x5d: {  	[sflag:s25] =	ssyncadd.s32 $0xFFFFFF00  }
0x5e: {  	[tilespmem:s23], [sflag:$0x3] =	stream.indirect.gather [hbm4b:s3+s19], $0x80, s13, s19, $0xb8;
	[tilespmem:$0x1C300] =	vst v63  }
0x5f: {  	_ =	swait.ge [sflag:s26], $0x4000  }
0x60: {  	[sflag:s26] =	ssyncset.done $0x0  }
.Ltmp0:
0x61: {  	[sflag:s26] =	ssyncadd.s32 $0xFFFFC000;
	(pc) =	sbr.rel @p1 .LBB2_2-.Ltmp0, $4  }
0x62: {  	[spmem:s4] =	stream.indirect.scatter.add.f32 [tilespmem:s20], [sflag:$0x7], $0x80, s28, s19, $0xb8;
	[tilespmem:$0x1C300] =	vst v63  }
0x63: {  	_ =	swait.ge [sflag:s17], $0x4000  }
0x64: {  	[sflag:s17] =	ssyncset.done $0x0  }
0x65: {  	s31 =	sadd.s32 $0x100, s31;
	s0 =	sadd.s32 s0, s11;
	[sflag:s17] =	ssyncadd.s32 $0xFFFFC000  }
0x66: {  	[tilespmem:s14], [sflag:$0x2] =	stream.linear.gather [hbm4b:s0+s5], $0x100, $0x38;
	[tilespmem:$0x1C300] =	vst v63  }
0x67: {  	_ =	swait.ge [sflag:s18], $0x100  }
0x68: {  	[sflag:s18] =	ssyncset.done $0x0  }
0x69: {  	[sflag:s18] =	ssyncadd.s32 $0xFFFFFF00  }
0x6a: {  	[tilespmem:s20], [sflag:$0x4] =	stream.indirect.gather [hbm4b:s3+s19], $0x80, s14, s19, $0xb8;
	[tilespmem:$0x1C300] =	vst v63  }
0x6b: {  	_ =	swait.ge [sflag:s21], $0x4000  }
0x6c: {  	[sflag:s21] =	ssyncset.done $0x0  }
0x6d: {  	[sflag:s21] =	ssyncadd.s32 $0xFFFFC000  }
0x6e: {  	[spmem:s4] =	stream.indirect.scatter.add.f32 [tilespmem:s23], [sflag:$0x7], $0x80, s22, s19, $0xb8;
	[tilespmem:$0x1C300] =	vst v63  }
0x6f: {  	_ =	swait.ge [sflag:s17], $0x4000  }
0x70: {  	[sflag:s17] =	ssyncset.done $0x0  }
0x71: {  	[sflag:s17] =	ssyncadd.s32 $0xFFFFC000  }
0x72: {  	_ =	swait.ge [sflag:s26], $0x4000  }
0x73: {  	[sflag:s26] =	ssyncset.done $0x0  }
0x74: {  	[sflag:s26] =	ssyncadd.s32 $0xFFFFC000  }
0x75: {  	[spmem:s4] =	stream.indirect.scatter.add.f32 [tilespmem:s20], [sflag:$0x7], $0x80, s28, s19, $0xb8;
	[tilespmem:$0x1C300] =	vst v63  }
0x76: {  	_ =	swait.ge [sflag:s17], $0x4000  }
0x77: {  	s29 =	sadd.s32 $0x1, s29;
	[sflag:s17] =	ssyncset.done $0x0  }
0x78: {  	p1 =	sne.s32 s29, s10;
	[sflag:s17] =	ssyncadd.s32 $0xFFFFC000  }
.Ltmp1:
0x79: {  	[bflag:$0x0] =	sbarrier.arrive $0xFFFF;
	(pc) =	sbr.rel @p1 .LBB2_1-.Ltmp1, $4  }
0x7a: {  	[hbm:s24], [sflag:s15] =	dma.local [spmem:s16], $0x2800  }
0x7b: {  	_ =	swait.ge [sflag:s17], $0x2800  }
0x7c: {  	[sflag:s17] =	ssyncset.done $0x0  }
0x7d: {  	[sflag:s17] =	ssyncadd.s32 $0xFFFFD800  }
0x7e: {  	_ =	sfence.sel $0x180000  }
0x7f: {  	[bflag:$0x0] =	sbarrier.arrive $0xFFFF  }
0x80: {  	_ =	strace $0x9000004A  }
0x81: {  	s0 =	stileid.u32;
	[bflag:$0x2] =	sbarrier.arrive $0xFFFF  }
0x82: {  	p0 =	sne.s32 s0, $0x0;
	s0 =	rddreg [dreg:$0x4]  }
0x83: {  	s0 =	sadd.s32 @!p0 $0x100000, s0  }
0x84: {  	[sflag:s0] =	ssyncadd.tile.s32 @!p0 $0x1;
	_ =	shalt  }
.Lfunc_end2:
_tile_overlayer_lowered:
.L_overlay_start_2:
0x85: {  	(tag) =	ssettag $0x2  }
0x86: {  	s0 =	rddreg [dreg:$0x0];
	s2 =	stileid.u32  }
0x87: {  	s1 =	rddreg [dreg:$0x1];
	p0 =	sne.s32 s2, $0x0  }
0x88: {  	s3 =	rddreg [dreg:$0x2];
	[bflag:$0x3] =	sbarrier.arrive $0xFFFF;
	s2 =	simm.s32 @!p0 $0x1C07  }
0x89: {  	[timem:s3], [sflag:s2] =	dma.local @!p0 [hbm:s0], s1  }
0x8a: {  	s0 =	simm.s32 @!p0 $0x7  }
0x8b: {  	_ =	swait.ge @!p0 [sflag:s0], s1  }
0x8c: {  	s1 =	ssub.s32 @!p0 $0x0, s1;
	[sflag:s0] =	ssyncset.done @!p0 $0x0  }
0x8d: {  	[sflag:s0] =	ssyncadd.s32 @!p0 s1  }
0x8e: {  	[bflag:$0x3] =	sbarrier.arrive $0xFFFF  }
0x8f: {  	_ =	shalt  }

</sc_bundles>
